<compile_context>
chip_gen: v7x
topology: tpu7x:2x2x1
jax: 0.10.2.dev20260603
libtpu: 0.0.44.dev20260713+nightly
codegen_flags: <defaults>
</compile_context>

<pallas_src>
import functools

import jax
import jax.numpy as jnp
from jax import lax
from jax.experimental import pallas as pl
from jax.experimental.pallas import tpu as pltpu
from jax.experimental.pallas import tpu_sc as plsc

TOTAL_TOKENS = 16384
EMB = 512
_NC = 2
_NS = 16
_NW = _NC * _NS
_BPW = TOTAL_TOKENS // _NW
_CH = 32
_NCHUNK = _BPW // _CH
_NBUF = 7
_INFLIGHT = 6


def _make_gather():
    mesh = plsc.VectorSubcoreMesh(core_axis_name="c", subcore_axis_name="s")

    @functools.partial(
        pl.kernel,
        mesh=mesh,
        out_type=jax.ShapeDtypeStruct((TOTAL_TOKENS, EMB), jnp.float32),
        scratch_types=[
            pltpu.VMEM((_BPW,), jnp.int32),
        ] + [pltpu.VMEM((_CH, EMB), jnp.float32)] * _NBUF
          + [pltpu.SemaphoreType.DMA] * (2 * _NBUF),
    )
    def gather_k(idx_hbm, table_hbm, out_hbm, idx_v, *bufs_and_sems):
        bufs = bufs_and_sems[:_NBUF]
        gsems = bufs_and_sems[_NBUF:2 * _NBUF]
        wsems = bufs_and_sems[2 * _NBUF:]
        wid = lax.axis_index("s") * _NC + lax.axis_index("c")
        base = wid * _BPW
        pltpu.sync_copy(idx_hbm.at[pl.ds(base, _BPW)], idx_v)

        def start_gather(c):
            slot = c % _NBUF
            return pltpu.async_copy(
                table_hbm.at[idx_v.at[pl.ds(c * _CH, _CH)]],
                bufs[slot], gsems[slot])

        def start_write(c):
            slot = c % _NBUF
            return pltpu.async_copy(
                bufs[slot], out_hbm.at[pl.ds(base + c * _CH, _CH)],
                wsems[slot])

        pend_g = {c: start_gather(c) for c in range(_INFLIGHT)}
        pend_w = {}
        for c in range(_NCHUNK):
            pend_g.pop(c).wait()
            pend_w[c] = start_write(c)
            nc = c + _INFLIGHT
            if nc < _NCHUNK:
                prev = nc - _NBUF
                if prev >= 0:
                    pend_w.pop(prev).wait()
                pend_g[nc] = start_gather(nc)
        for w in pend_w.values():
            w.wait()

    return gather_k


_gather = _make_gather()


def kernel(indices, cu_seqlens, table):
    del cu_seqlens
    return _gather(indices.astype(jnp.int32), table)

# --- scband reference (transcript-rebuilt; emitter-appended) ---
"""Pipeline reference for scband-learnable-embeddings-18124761989457 (READ-ONLY COPY).

The authoritative reference and input builder live on the scoring server;
editing this copy changes nothing except your own understanding.
"""

import jax, jax.numpy as jnp
import numpy as np

TOTAL_TOKENS = 16384
BATCH = 16
VOCAB = 100000
EMB = 512

def setup_inputs(seed: int = 0) -> dict:
    key = jax.random.key(seed)
    k1, k2, k3 = jax.random.split(key, 3)
    # Flattened ragged token lists (the module packs nested token_lists into one flat index tensor)
    indices = jax.random.randint(k1, (TOTAL_TOKENS,), 0, VOCAB, dtype=jnp.int64)
    # cu_seqlens encodes the ragged boundaries of the packed sequence (PackedSequencePlus metadata)
    inner = jnp.sort(jax.random.randint(k2, (BATCH - 1,), 0, TOTAL_TOKENS, dtype=jnp.int32))
    cu_seqlens = jnp.concatenate([jnp.array([0], dtype=jnp.int32), inner, jnp.array([TOTAL_TOKENS], dtype=jnp.int32)])
    # Learned embedding table (self.embedding weight)
    table = jax.random.normal(k3, (VOCAB, EMB), dtype=jnp.float32) * 0.02
    return {"indices": indices, "cu_seqlens": cu_seqlens, "table": table}

def reference(indices, cu_seqlens, table):
    # LearnableEmbeddings.forward: flatten ragged token lists, then embedding lookup
    # on the packed flat index tensor (indices.apply(lambda x: self.embedding(x.squeeze(-1)))).
    # cu_seqlens carries the ragged segment boundaries alongside the flat embeddings.
    all_embs = jnp.take(table, indices, axis=0)
    return all_embs

if __name__ == "__main__":
    import jax
    _d = setup_inputs()
    print(jax.jit(kernel)(*tuple(_d.values())))

</pallas_src>

<mosaic_0001>
#map = affine_map<(d0, d1) -> (0)>
#map1 = affine_map<(d0, d1) -> (0, 0)>
module attributes {stable_mosaic.version = 14 : i64} {
  func.func @gather_k(%arg0: i32, %arg1: i32, %arg2: memref<16384xi32, #tpu.memory_space<hbm>>, %arg3: memref<100000x512xf32, #tpu.memory_space<hbm>>, %arg4: memref<16384x512xf32, #tpu.memory_space<hbm>>, %arg5: memref<512xi32, #tpu.memory_space<vmem>>, %arg6: memref<32x512xf32, #tpu.memory_space<vmem>>, %arg7: memref<32x512xf32, #tpu.memory_space<vmem>>, %arg8: memref<32x512xf32, #tpu.memory_space<vmem>>, %arg9: memref<32x512xf32, #tpu.memory_space<vmem>>, %arg10: memref<32x512xf32, #tpu.memory_space<vmem>>, %arg11: memref<32x512xf32, #tpu.memory_space<vmem>>, %arg12: memref<32x512xf32, #tpu.memory_space<vmem>>, %arg13: memref<!tpu.dma_semaphore, #tpu.memory_space<semaphore_mem>>, %arg14: memref<!tpu.dma_semaphore, #tpu.memory_space<semaphore_mem>>, %arg15: memref<!tpu.dma_semaphore, #tpu.memory_space<semaphore_mem>>, %arg16: memref<!tpu.dma_semaphore, #tpu.memory_space<semaphore_mem>>, %arg17: memref<!tpu.dma_semaphore, #tpu.memory_space<semaphore_mem>>, %arg18: memref<!tpu.dma_semaphore, #tpu.memory_space<semaphore_mem>>, %arg19: memref<!tpu.dma_semaphore, #tpu.memory_space<semaphore_mem>>, %arg20: memref<!tpu.dma_semaphore, #tpu.memory_space<semaphore_mem>>, %arg21: memref<!tpu.dma_semaphore, #tpu.memory_space<semaphore_mem>>, %arg22: memref<!tpu.dma_semaphore, #tpu.memory_space<semaphore_mem>>, %arg23: memref<!tpu.dma_semaphore, #tpu.memory_space<semaphore_mem>>, %arg24: memref<!tpu.dma_semaphore, #tpu.memory_space<semaphore_mem>>, %arg25: memref<!tpu.dma_semaphore, #tpu.memory_space<semaphore_mem>>, %arg26: memref<!tpu.dma_semaphore, #tpu.memory_space<semaphore_mem>>) attributes {dimension_semantics = [#tpu.dimension_semantics<core_parallel>, #tpu.dimension_semantics<subcore_parallel>], iteration_bounds = array<i64: 2, 16>, scalar_prefetch = 0 : i64, scratch_operands = 22 : i64, tpu.core_type = #tpu.core_type<sc_vector_subcore>, window_params = [{transform_indices = #map}, {transform_indices = #map1}, {transform_indices = #map1}]} {
    %mul3A = arith.constant 2 : i32
    %mul3A_0 = arith.muli %arg1, %mul3A : i32
    %add3A = arith.addi %mul3A_0, %arg0 : i32
    %mul3A_1 = arith.constant 512 : i32
    %mul3A_2 = arith.muli %add3A, %mul3A_1 : i32
    "tpu.region"() ({
      %run_scoped3A = tpu.sem_alloc : memref<!tpu.dma_semaphore, #tpu.memory_space<semaphore_mem>>
      %dma_start3A_321 = tpu.memref_slice %arg2[%mul3A_2] : memref<16384xi32, #tpu.memory_space<hbm>> -> memref<512xi32, #tpu.memory_space<hbm>>
      %dma_start3A_322 = tpu.memref_slice %arg2[%mul3A_2] : memref<16384xi32, #tpu.memory_space<hbm>> -> memref<512xi32, #tpu.memory_space<hbm>>
      tpu.enqueue_dma source(%dma_start3A_322 : memref<512xi32, #tpu.memory_space<hbm>>) target(%arg5 : memref<512xi32, #tpu.memory_space<vmem>>) target_semaphore(%run_scoped3A : memref<!tpu.dma_semaphore, #tpu.memory_space<semaphore_mem>>)
      %dma_wait3A_323 = tpu.memref_slice %arg2[%mul3A_2] : memref<16384xi32, #tpu.memory_space<hbm>> -> memref<512xi32, #tpu.memory_space<hbm>>
      %dma_wait3A_324 = tpu.memref_slice %arg2[%mul3A_2] : memref<16384xi32, #tpu.memory_space<hbm>> -> memref<512xi32, #tpu.memory_space<hbm>>
      tpu.wait_dma2 semaphore(%run_scoped3A : memref<!tpu.dma_semaphore, #tpu.memory_space<semaphore_mem>>) src(%dma_wait3A_324 : memref<512xi32, #tpu.memory_space<hbm>>) dst(%arg5 : memref<512xi32, #tpu.memory_space<vmem>>)
      tpu.yield
    }) : () -> ()
    %dma_start3A = arith.constant 0 : i32
    %dma_start3A_3 = tpu.memref_slice %arg5[%dma_start3A] : memref<512xi32, #tpu.memory_space<vmem>> -> memref<32xi32, #tpu.memory_space<vmem>>
    %dma_start3A_4 = arith.constant 0 : i32
    %dma_start3A_5 = arith.constant 0 : i32
    %dma_start3A_6 = tpu.memref_slice %arg3[%dma_start3A_4, %dma_start3A_5] : memref<100000x512xf32, #tpu.memory_space<hbm>> -> memref<100000x512xf32, #tpu.memory_space<hbm>>
    tpu.enqueue_indirect_dma source(%dma_start3A_6 : memref<100000x512xf32, #tpu.memory_space<hbm>>) target(%arg6 : memref<32x512xf32, #tpu.memory_space<vmem>>) offsets(%dma_start3A_3 : memref<32xi32, #tpu.memory_space<vmem>>) semaphore(%arg13 : memref<!tpu.dma_semaphore, #tpu.memory_space<semaphore_mem>>)
    %dma_start3A_7 = arith.constant 32 : i32
    %dma_start3A_8 = tpu.memref_slice %arg5[%dma_start3A_7] : memref<512xi32, #tpu.memory_space<vmem>> -> memref<32xi32, #tpu.memory_space<vmem>>
    %dma_start3A_9 = arith.constant 0 : i32
    %dma_start3A_10 = arith.constant 0 : i32
    %dma_start3A_11 = tpu.memref_slice %arg3[%dma_start3A_9, %dma_start3A_10] : memref<100000x512xf32, #tpu.memory_space<hbm>> -> memref<100000x512xf32, #tpu.memory_space<hbm>>
    tpu.enqueue_indirect_dma source(%dma_start3A_11 : memref<100000x512xf32, #tpu.memory_space<hbm>>) target(%arg7 : memref<32x512xf32, #tpu.memory_space<vmem>>) offsets(%dma_start3A_8 : memref<32xi32, #tpu.memory_space<vmem>>) semaphore(%arg14 : memref<!tpu.dma_semaphore, #tpu.memory_space<semaphore_mem>>)
    %dma_start3A_12 = arith.constant 64 : i32
    %dma_start3A_13 = tpu.memref_slice %arg5[%dma_start3A_12] : memref<512xi32, #tpu.memory_space<vmem>> -> memref<32xi32, #tpu.memory_space<vmem>>
    %dma_start3A_14 = arith.constant 0 : i32
    %dma_start3A_15 = arith.constant 0 : i32
    %dma_start3A_16 = tpu.memref_slice %arg3[%dma_start3A_14, %dma_start3A_15] : memref<100000x512xf32, #tpu.memory_space<hbm>> -> memref<100000x512xf32, #tpu.memory_space<hbm>>
    tpu.enqueue_indirect_dma source(%dma_start3A_16 : memref<100000x512xf32, #tpu.memory_space<hbm>>) target(%arg8 : memref<32x512xf32, #tpu.memory_space<vmem>>) offsets(%dma_start3A_13 : memref<32xi32, #tpu.memory_space<vmem>>) semaphore(%arg15 : memref<!tpu.dma_semaphore, #tpu.memory_space<semaphore_mem>>)
    %dma_start3A_17 = arith.constant 96 : i32
    %dma_start3A_18 = tpu.memref_slice %arg5[%dma_start3A_17] : memref<512xi32, #tpu.memory_space<vmem>> -> memref<32xi32, #tpu.memory_space<vmem>>
    %dma_start3A_19 = arith.constant 0 : i32
    %dma_start3A_20 = arith.constant 0 : i32
    %dma_start3A_21 = tpu.memref_slice %arg3[%dma_start3A_19, %dma_start3A_20] : memref<100000x512xf32, #tpu.memory_space<hbm>> -> memref<100000x512xf32, #tpu.memory_space<hbm>>
    tpu.enqueue_indirect_dma source(%dma_start3A_21 : memref<100000x512xf32, #tpu.memory_space<hbm>>) target(%arg9 : memref<32x512xf32, #tpu.memory_space<vmem>>) offsets(%dma_start3A_18 : memref<32xi32, #tpu.memory_space<vmem>>) semaphore(%arg16 : memref<!tpu.dma_semaphore, #tpu.memory_space<semaphore_mem>>)
    %dma_start3A_22 = arith.constant 128 : i32
    %dma_start3A_23 = tpu.memref_slice %arg5[%dma_start3A_22] : memref<512xi32, #tpu.memory_space<vmem>> -> memref<32xi32, #tpu.memory_space<vmem>>
    %dma_start3A_24 = arith.constant 0 : i32
    %dma_start3A_25 = arith.constant 0 : i32
    %dma_start3A_26 = tpu.memref_slice %arg3[%dma_start3A_24, %dma_start3A_25] : memref<100000x512xf32, #tpu.memory_space<hbm>> -> memref<100000x512xf32, #tpu.memory_space<hbm>>
    tpu.enqueue_indirect_dma source(%dma_start3A_26 : memref<100000x512xf32, #tpu.memory_space<hbm>>) target(%arg10 : memref<32x512xf32, #tpu.memory_space<vmem>>) offsets(%dma_start3A_23 : memref<32xi32, #tpu.memory_space<vmem>>) semaphore(%arg17 : memref<!tpu.dma_semaphore, #tpu.memory_space<semaphore_mem>>)
    %dma_start3A_27 = arith.constant 160 : i32
    %dma_start3A_28 = tpu.memref_slice %arg5[%dma_start3A_27] : memref<512xi32, #tpu.memory_space<vmem>> -> memref<32xi32, #tpu.memory_space<vmem>>
    %dma_start3A_29 = arith.constant 0 : i32
    %dma_start3A_30 = arith.constant 0 : i32
    %dma_start3A_31 = tpu.memref_slice %arg3[%dma_start3A_29, %dma_start3A_30] : memref<100000x512xf32, #tpu.memory_space<hbm>> -> memref<100000x512xf32, #tpu.memory_space<hbm>>
    tpu.enqueue_indirect_dma source(%dma_start3A_31 : memref<100000x512xf32, #tpu.memory_space<hbm>>) target(%arg11 : memref<32x512xf32, #tpu.memory_space<vmem>>) offsets(%dma_start3A_28 : memref<32xi32, #tpu.memory_space<vmem>>) semaphore(%arg18 : memref<!tpu.dma_semaphore, #tpu.memory_space<semaphore_mem>>)
    %dma_wait3A = arith.constant 0 : i32
    %dma_wait3A_32 = tpu.memref_slice %arg5[%dma_wait3A] : memref<512xi32, #tpu.memory_space<vmem>> -> memref<32xi32, #tpu.memory_space<vmem>>
    %dma_wait3A_33 = arith.constant 0 : i32
    %dma_wait3A_34 = arith.constant 0 : i32
    %dma_wait3A_35 = tpu.memref_slice %arg3[%dma_wait3A_33, %dma_wait3A_34] : memref<100000x512xf32, #tpu.memory_space<hbm>> -> memref<100000x512xf32, #tpu.memory_space<hbm>>
    tpu.wait_indirect_dma semaphore(%arg13 : memref<!tpu.dma_semaphore, #tpu.memory_space<semaphore_mem>>) src(%dma_wait3A_35 : memref<100000x512xf32, #tpu.memory_space<hbm>>) dst(%arg6 : memref<32x512xf32, #tpu.memory_space<vmem>>)
    %add3A_36 = arith.constant 0 : i32
    %add3A_37 = arith.addi %mul3A_2, %add3A_36 : i32
    %dma_start3A_38 = arith.constant 0 : i32
    %dma_start3A_39 = tpu.memref_slice %arg4[%add3A_37, %dma_start3A_38] : memref<16384x512xf32, #tpu.memory_space<hbm>> -> memref<32x512xf32, #tpu.memory_space<hbm>>
    %dma_start3A_40 = arith.constant 0 : i32
    %dma_start3A_41 = tpu.memref_slice %arg4[%add3A_37, %dma_start3A_40] : memref<16384x512xf32, #tpu.memory_space<hbm>> -> memref<32x512xf32, #tpu.memory_space<hbm>>
    tpu.enqueue_dma source(%arg6 : memref<32x512xf32, #tpu.memory_space<vmem>>) target(%dma_start3A_41 : memref<32x512xf32, #tpu.memory_space<hbm>>) target_semaphore(%arg20 : memref<!tpu.dma_semaphore, #tpu.memory_space<semaphore_mem>>)
    %dma_start3A_42 = arith.constant 192 : i32
    %dma_start3A_43 = tpu.memref_slice %arg5[%dma_start3A_42] : memref<512xi32, #tpu.memory_space<vmem>> -> memref<32xi32, #tpu.memory_space<vmem>>
    %dma_start3A_44 = arith.constant 0 : i32
    %dma_start3A_45 = arith.constant 0 : i32
    %dma_start3A_46 = tpu.memref_slice %arg3[%dma_start3A_44, %dma_start3A_45] : memref<100000x512xf32, #tpu.memory_space<hbm>> -> memref<100000x512xf32, #tpu.memory_space<hbm>>
    tpu.enqueue_indirect_dma source(%dma_start3A_46 : memref<100000x512xf32, #tpu.memory_space<hbm>>) target(%arg12 : memref<32x512xf32, #tpu.memory_space<vmem>>) offsets(%dma_start3A_43 : memref<32xi32, #tpu.memory_space<vmem>>) semaphore(%arg19 : memref<!tpu.dma_semaphore, #tpu.memory_space<semaphore_mem>>)
    %dma_wait3A_47 = arith.constant 32 : i32
    %dma_wait3A_48 = tpu.memref_slice %arg5[%dma_wait3A_47] : memref<512xi32, #tpu.memory_space<vmem>> -> memref<32xi32, #tpu.memory_space<vmem>>
    %dma_wait3A_49 = arith.constant 0 : i32
    %dma_wait3A_50 = arith.constant 0 : i32
    %dma_wait3A_51 = tpu.memref_slice %arg3[%dma_wait3A_49, %dma_wait3A_50] : memref<100000x512xf32, #tpu.memory_space<hbm>> -> memref<100000x512xf32, #tpu.memory_space<hbm>>
    tpu.wait_indirect_dma semaphore(%arg14 : memref<!tpu.dma_semaphore, #tpu.memory_space<semaphore_mem>>) src(%dma_wait3A_51 : memref<100000x512xf32, #tpu.memory_space<hbm>>) dst(%arg7 : memref<32x512xf32, #tpu.memory_space<vmem>>)
    %add3A_52 = arith.constant 32 : i32
    %add3A_53 = arith.addi %mul3A_2, %add3A_52 : i32
    %dma_start3A_54 = arith.constant 0 : i32
    %dma_start3A_55 = tpu.memref_slice %arg4[%add3A_53, %dma_start3A_54] : memref<16384x512xf32, #tpu.memory_space<hbm>> -> memref<32x512xf32, #tpu.memory_space<hbm>>
    %dma_start3A_56 = arith.constant 0 : i32
    %dma_start3A_57 = tpu.memref_slice %arg4[%add3A_53, %dma_start3A_56] : memref<16384x512xf32, #tpu.memory_space<hbm>> -> memref<32x512xf32, #tpu.memory_space<hbm>>
    tpu.enqueue_dma source(%arg7 : memref<32x512xf32, #tpu.memory_space<vmem>>) target(%dma_start3A_57 : memref<32x512xf32, #tpu.memory_space<hbm>>) target_semaphore(%arg21 : memref<!tpu.dma_semaphore, #tpu.memory_space<semaphore_mem>>)
    %dma_wait3A_58 = arith.constant 0 : i32
    %dma_wait3A_59 = tpu.memref_slice %arg4[%add3A_37, %dma_wait3A_58] : memref<16384x512xf32, #tpu.memory_space<hbm>> -> memref<32x512xf32, #tpu.memory_space<hbm>>
    %dma_wait3A_60 = arith.constant 0 : i32
    %dma_wait3A_61 = tpu.memref_slice %arg4[%add3A_37, %dma_wait3A_60] : memref<16384x512xf32, #tpu.memory_space<hbm>> -> memref<32x512xf32, #tpu.memory_space<hbm>>
    tpu.wait_dma2 semaphore(%arg20 : memref<!tpu.dma_semaphore, #tpu.memory_space<semaphore_mem>>) src(%arg6 : memref<32x512xf32, #tpu.memory_space<vmem>>) dst(%dma_wait3A_61 : memref<32x512xf32, #tpu.memory_space<hbm>>)
    %dma_start3A_62 = arith.constant 224 : i32
    %dma_start3A_63 = tpu.memref_slice %arg5[%dma_start3A_62] : memref<512xi32, #tpu.memory_space<vmem>> -> memref<32xi32, #tpu.memory_space<vmem>>
    %dma_start3A_64 = arith.constant 0 : i32
    %dma_start3A_65 = arith.constant 0 : i32
    %dma_start3A_66 = tpu.memref_slice %arg3[%dma_start3A_64, %dma_start3A_65] : memref<100000x512xf32, #tpu.memory_space<hbm>> -> memref<100000x512xf32, #tpu.memory_space<hbm>>
    tpu.enqueue_indirect_dma source(%dma_start3A_66 : memref<100000x512xf32, #tpu.memory_space<hbm>>) target(%arg6 : memref<32x512xf32, #tpu.memory_space<vmem>>) offsets(%dma_start3A_63 : memref<32xi32, #tpu.memory_space<vmem>>) semaphore(%arg13 : memref<!tpu.dma_semaphore, #tpu.memory_space<semaphore_mem>>)
    %dma_wait3A_67 = arith.constant 64 : i32
    %dma_wait3A_68 = tpu.memref_slice %arg5[%dma_wait3A_67] : memref<512xi32, #tpu.memory_space<vmem>> -> memref<32xi32, #tpu.memory_space<vmem>>
    %dma_wait3A_69 = arith.constant 0 : i32
    %dma_wait3A_70 = arith.constant 0 : i32
    %dma_wait3A_71 = tpu.memref_slice %arg3[%dma_wait3A_69, %dma_wait3A_70] : memref<100000x512xf32, #tpu.memory_space<hbm>> -> memref<100000x512xf32, #tpu.memory_space<hbm>>
    tpu.wait_indirect_dma semaphore(%arg15 : memref<!tpu.dma_semaphore, #tpu.memory_space<semaphore_mem>>) src(%dma_wait3A_71 : memref<100000x512xf32, #tpu.memory_space<hbm>>) dst(%arg8 : memref<32x512xf32, #tpu.memory_space<vmem>>)
    %add3A_72 = arith.constant 64 : i32
    %add3A_73 = arith.addi %mul3A_2, %add3A_72 : i32
    %dma_start3A_74 = arith.constant 0 : i32
    %dma_start3A_75 = tpu.memref_slice %arg4[%add3A_73, %dma_start3A_74] : memref<16384x512xf32, #tpu.memory_space<hbm>> -> memref<32x512xf32, #tpu.memory_space<hbm>>
    %dma_start3A_76 = arith.constant 0 : i32
    %dma_start3A_77 = tpu.memref_slice %arg4[%add3A_73, %dma_start3A_76] : memref<16384x512xf32, #tpu.memory_space<hbm>> -> memref<32x512xf32, #tpu.memory_space<hbm>>
    tpu.enqueue_dma source(%arg8 : memref<32x512xf32, #tpu.memory_space<vmem>>) target(%dma_start3A_77 : memref<32x512xf32, #tpu.memory_space<hbm>>) target_semaphore(%arg22 : memref<!tpu.dma_semaphore, #tpu.memory_space<semaphore_mem>>)
    %dma_wait3A_78 = arith.constant 0 : i32
    %dma_wait3A_79 = tpu.memref_slice %arg4[%add3A_53, %dma_wait3A_78] : memref<16384x512xf32, #tpu.memory_space<hbm>> -> memref<32x512xf32, #tpu.memory_space<hbm>>
    %dma_wait3A_80 = arith.constant 0 : i32
    %dma_wait3A_81 = tpu.memref_slice %arg4[%add3A_53, %dma_wait3A_80] : memref<16384x512xf32, #tpu.memory_space<hbm>> -> memref<32x512xf32, #tpu.memory_space<hbm>>
    tpu.wait_dma2 semaphore(%arg21 : memref<!tpu.dma_semaphore, #tpu.memory_space<semaphore_mem>>) src(%arg7 : memref<32x512xf32, #tpu.memory_space<vmem>>) dst(%dma_wait3A_81 : memref<32x512xf32, #tpu.memory_space<hbm>>)
    %dma_start3A_82 = arith.constant 256 : i32
    %dma_start3A_83 = tpu.memref_slice %arg5[%dma_start3A_82] : memref<512xi32, #tpu.memory_space<vmem>> -> memref<32xi32, #tpu.memory_space<vmem>>
    %dma_start3A_84 = arith.constant 0 : i32
    %dma_start3A_85 = arith.constant 0 : i32
    %dma_start3A_86 = tpu.memref_slice %arg3[%dma_start3A_84, %dma_start3A_85] : memref<100000x512xf32, #tpu.memory_space<hbm>> -> memref<100000x512xf32, #tpu.memory_space<hbm>>
    tpu.enqueue_indirect_dma source(%dma_start3A_86 : memref<100000x512xf32, #tpu.memory_space<hbm>>) target(%arg7 : memref<32x512xf32, #tpu.memory_space<vmem>>) offsets(%dma_start3A_83 : memref<32xi32, #tpu.memory_space<vmem>>) semaphore(%arg14 : memref<!tpu.dma_semaphore, #tpu.memory_space<semaphore_mem>>)
    %dma_wait3A_87 = arith.constant 96 : i32
    %dma_wait3A_88 = tpu.memref_slice %arg5[%dma_wait3A_87] : memref<512xi32, #tpu.memory_space<vmem>> -> memref<32xi32, #tpu.memory_space<vmem>>
    %dma_wait3A_89 = arith.constant 0 : i32
    %dma_wait3A_90 = arith.constant 0 : i32
    %dma_wait3A_91 = tpu.memref_slice %arg3[%dma_wait3A_89, %dma_wait3A_90] : memref<100000x512xf32, #tpu.memory_space<hbm>> -> memref<100000x512xf32, #tpu.memory_space<hbm>>
    tpu.wait_indirect_dma semaphore(%arg16 : memref<!tpu.dma_semaphore, #tpu.memory_space<semaphore_mem>>) src(%dma_wait3A_91 : memref<100000x512xf32, #tpu.memory_space<hbm>>) dst(%arg9 : memref<32x512xf32, #tpu.memory_space<vmem>>)
    %add3A_92 = arith.constant 96 : i32
    %add3A_93 = arith.addi %mul3A_2, %add3A_92 : i32
    %dma_start3A_94 = arith.constant 0 : i32
    %dma_start3A_95 = tpu.memref_slice %arg4[%add3A_93, %dma_start3A_94] : memref<16384x512xf32, #tpu.memory_space<hbm>> -> memref<32x512xf32, #tpu.memory_space<hbm>>
    %dma_start3A_96 = arith.constant 0 : i32
    %dma_start3A_97 = tpu.memref_slice %arg4[%add3A_93, %dma_start3A_96] : memref<16384x512xf32, #tpu.memory_space<hbm>> -> memref<32x512xf32, #tpu.memory_space<hbm>>
    tpu.enqueue_dma source(%arg9 : memref<32x512xf32, #tpu.memory_space<vmem>>) target(%dma_start3A_97 : memref<32x512xf32, #tpu.memory_space<hbm>>) target_semaphore(%arg23 : memref<!tpu.dma_semaphore, #tpu.memory_space<semaphore_mem>>)
    %dma_wait3A_98 = arith.constant 0 : i32
    %dma_wait3A_99 = tpu.memref_slice %arg4[%add3A_73, %dma_wait3A_98] : memref<16384x512xf32, #tpu.memory_space<hbm>> -> memref<32x512xf32, #tpu.memory_space<hbm>>
    %dma_wait3A_100 = arith.constant 0 : i32
    %dma_wait3A_101 = tpu.memref_slice %arg4[%add3A_73, %dma_wait3A_100] : memref<16384x512xf32, #tpu.memory_space<hbm>> -> memref<32x512xf32, #tpu.memory_space<hbm>>
    tpu.wait_dma2 semaphore(%arg22 : memref<!tpu.dma_semaphore, #tpu.memory_space<semaphore_mem>>) src(%arg8 : memref<32x512xf32, #tpu.memory_space<vmem>>) dst(%dma_wait3A_101 : memref<32x512xf32, #tpu.memory_space<hbm>>)
    %dma_start3A_102 = arith.constant 288 : i32
    %dma_start3A_103 = tpu.memref_slice %arg5[%dma_start3A_102] : memref<512xi32, #tpu.memory_space<vmem>> -> memref<32xi32, #tpu.memory_space<vmem>>
    %dma_start3A_104 = arith.constant 0 : i32
    %dma_start3A_105 = arith.constant 0 : i32
    %dma_start3A_106 = tpu.memref_slice %arg3[%dma_start3A_104, %dma_start3A_105] : memref<100000x512xf32, #tpu.memory_space<hbm>> -> memref<100000x512xf32, #tpu.memory_space<hbm>>
    tpu.enqueue_indirect_dma source(%dma_start3A_106 : memref<100000x512xf32, #tpu.memory_space<hbm>>) target(%arg8 : memref<32x512xf32, #tpu.memory_space<vmem>>) offsets(%dma_start3A_103 : memref<32xi32, #tpu.memory_space<vmem>>) semaphore(%arg15 : memref<!tpu.dma_semaphore, #tpu.memory_space<semaphore_mem>>)
    %dma_wait3A_107 = arith.constant 128 : i32
    %dma_wait3A_108 = tpu.memref_slice %arg5[%dma_wait3A_107] : memref<512xi32, #tpu.memory_space<vmem>> -> memref<32xi32, #tpu.memory_space<vmem>>
    %dma_wait3A_109 = arith.constant 0 : i32
    %dma_wait3A_110 = arith.constant 0 : i32
    %dma_wait3A_111 = tpu.memref_slice %arg3[%dma_wait3A_109, %dma_wait3A_110] : memref<100000x512xf32, #tpu.memory_space<hbm>> -> memref<100000x512xf32, #tpu.memory_space<hbm>>
    tpu.wait_indirect_dma semaphore(%arg17 : memref<!tpu.dma_semaphore, #tpu.memory_space<semaphore_mem>>) src(%dma_wait3A_111 : memref<100000x512xf32, #tpu.memory_space<hbm>>) dst(%arg10 : memref<32x512xf32, #tpu.memory_space<vmem>>)
    %add3A_112 = arith.constant 128 : i32
    %add3A_113 = arith.addi %mul3A_2, %add3A_112 : i32
    %dma_start3A_114 = arith.constant 0 : i32
    %dma_start3A_115 = tpu.memref_slice %arg4[%add3A_113, %dma_start3A_114] : memref<16384x512xf32, #tpu.memory_space<hbm>> -> memref<32x512xf32, #tpu.memory_space<hbm>>
    %dma_start3A_116 = arith.constant 0 : i32
    %dma_start3A_117 = tpu.memref_slice %arg4[%add3A_113, %dma_start3A_116] : memref<16384x512xf32, #tpu.memory_space<hbm>> -> memref<32x512xf32, #tpu.memory_space<hbm>>
    tpu.enqueue_dma source(%arg10 : memref<32x512xf32, #tpu.memory_space<vmem>>) target(%dma_start3A_117 : memref<32x512xf32, #tpu.memory_space<hbm>>) target_semaphore(%arg24 : memref<!tpu.dma_semaphore, #tpu.memory_space<semaphore_mem>>)
    %dma_wait3A_118 = arith.constant 0 : i32
    %dma_wait3A_119 = tpu.memref_slice %arg4[%add3A_93, %dma_wait3A_118] : memref<16384x512xf32, #tpu.memory_space<hbm>> -> memref<32x512xf32, #tpu.memory_space<hbm>>
    %dma_wait3A_120 = arith.constant 0 : i32
    %dma_wait3A_121 = tpu.memref_slice %arg4[%add3A_93, %dma_wait3A_120] : memref<16384x512xf32, #tpu.memory_space<hbm>> -> memref<32x512xf32, #tpu.memory_space<hbm>>
    tpu.wait_dma2 semaphore(%arg23 : memref<!tpu.dma_semaphore, #tpu.memory_space<semaphore_mem>>) src(%arg9 : memref<32x512xf32, #tpu.memory_space<vmem>>) dst(%dma_wait3A_121 : memref<32x512xf32, #tpu.memory_space<hbm>>)
    %dma_start3A_122 = arith.constant 320 : i32
    %dma_start3A_123 = tpu.memref_slice %arg5[%dma_start3A_122] : memref<512xi32, #tpu.memory_space<vmem>> -> memref<32xi32, #tpu.memory_space<vmem>>
    %dma_start3A_124 = arith.constant 0 : i32
    %dma_start3A_125 = arith.constant 0 : i32
    %dma_start3A_126 = tpu.memref_slice %arg3[%dma_start3A_124, %dma_start3A_125] : memref<100000x512xf32, #tpu.memory_space<hbm>> -> memref<100000x512xf32, #tpu.memory_space<hbm>>
    tpu.enqueue_indirect_dma source(%dma_start3A_126 : memref<100000x512xf32, #tpu.memory_space<hbm>>) target(%arg9 : memref<32x512xf32, #tpu.memory_space<vmem>>) offsets(%dma_start3A_123 : memref<32xi32, #tpu.memory_space<vmem>>) semaphore(%arg16 : memref<!tpu.dma_semaphore, #tpu.memory_space<semaphore_mem>>)
    %dma_wait3A_127 = arith.constant 160 : i32
    %dma_wait3A_128 = tpu.memref_slice %arg5[%dma_wait3A_127] : memref<512xi32, #tpu.memory_space<vmem>> -> memref<32xi32, #tpu.memory_space<vmem>>
    %dma_wait3A_129 = arith.constant 0 : i32
    %dma_wait3A_130 = arith.constant 0 : i32
    %dma_wait3A_131 = tpu.memref_slice %arg3[%dma_wait3A_129, %dma_wait3A_130] : memref<100000x512xf32, #tpu.memory_space<hbm>> -> memref<100000x512xf32, #tpu.memory_space<hbm>>
    tpu.wait_indirect_dma semaphore(%arg18 : memref<!tpu.dma_semaphore, #tpu.memory_space<semaphore_mem>>) src(%dma_wait3A_131 : memref<100000x512xf32, #tpu.memory_space<hbm>>) dst(%arg11 : memref<32x512xf32, #tpu.memory_space<vmem>>)
    %add3A_132 = arith.constant 160 : i32
    %add3A_133 = arith.addi %mul3A_2, %add3A_132 : i32
    %dma_start3A_134 = arith.constant 0 : i32
    %dma_start3A_135 = tpu.memref_slice %arg4[%add3A_133, %dma_start3A_134] : memref<16384x512xf32, #tpu.memory_space<hbm>> -> memref<32x512xf32, #tpu.memory_space<hbm>>
    %dma_start3A_136 = arith.constant 0 : i32
    %dma_start3A_137 = tpu.memref_slice %arg4[%add3A_133, %dma_start3A_136] : memref<16384x512xf32, #tpu.memory_space<hbm>> -> memref<32x512xf32, #tpu.memory_space<hbm>>
    tpu.enqueue_dma source(%arg11 : memref<32x512xf32, #tpu.memory_space<vmem>>) target(%dma_start3A_137 : memref<32x512xf32, #tpu.memory_space<hbm>>) target_semaphore(%arg25 : memref<!tpu.dma_semaphore, #tpu.memory_space<semaphore_mem>>)
    %dma_wait3A_138 = arith.constant 0 : i32
    %dma_wait3A_139 = tpu.memref_slice %arg4[%add3A_113, %dma_wait3A_138] : memref<16384x512xf32, #tpu.memory_space<hbm>> -> memref<32x512xf32, #tpu.memory_space<hbm>>
    %dma_wait3A_140 = arith.constant 0 : i32
    %dma_wait3A_141 = tpu.memref_slice %arg4[%add3A_113, %dma_wait3A_140] : memref<16384x512xf32, #tpu.memory_space<hbm>> -> memref<32x512xf32, #tpu.memory_space<hbm>>
    tpu.wait_dma2 semaphore(%arg24 : memref<!tpu.dma_semaphore, #tpu.memory_space<semaphore_mem>>) src(%arg10 : memref<32x512xf32, #tpu.memory_space<vmem>>) dst(%dma_wait3A_141 : memref<32x512xf32, #tpu.memory_space<hbm>>)
    %dma_start3A_142 = arith.constant 352 : i32
    %dma_start3A_143 = tpu.memref_slice %arg5[%dma_start3A_142] : memref<512xi32, #tpu.memory_space<vmem>> -> memref<32xi32, #tpu.memory_space<vmem>>
    %dma_start3A_144 = arith.constant 0 : i32
    %dma_start3A_145 = arith.constant 0 : i32
    %dma_start3A_146 = tpu.memref_slice %arg3[%dma_start3A_144, %dma_start3A_145] : memref<100000x512xf32, #tpu.memory_space<hbm>> -> memref<100000x512xf32, #tpu.memory_space<hbm>>
    tpu.enqueue_indirect_dma source(%dma_start3A_146 : memref<100000x512xf32, #tpu.memory_space<hbm>>) target(%arg10 : memref<32x512xf32, #tpu.memory_space<vmem>>) offsets(%dma_start3A_143 : memref<32xi32, #tpu.memory_space<vmem>>) semaphore(%arg17 : memref<!tpu.dma_semaphore, #tpu.memory_space<semaphore_mem>>)
    %dma_wait3A_147 = arith.constant 192 : i32
    %dma_wait3A_148 = tpu.memref_slice %arg5[%dma_wait3A_147] : memref<512xi32, #tpu.memory_space<vmem>> -> memref<32xi32, #tpu.memory_space<vmem>>
    %dma_wait3A_149 = arith.constant 0 : i32
    %dma_wait3A_150 = arith.constant 0 : i32
    %dma_wait3A_151 = tpu.memref_slice %arg3[%dma_wait3A_149, %dma_wait3A_150] : memref<100000x512xf32, #tpu.memory_space<hbm>> -> memref<100000x512xf32, #tpu.memory_space<hbm>>
    tpu.wait_indirect_dma semaphore(%arg19 : memref<!tpu.dma_semaphore, #tpu.memory_space<semaphore_mem>>) src(%dma_wait3A_151 : memref<100000x512xf32, #tpu.memory_space<hbm>>) dst(%arg12 : memref<32x512xf32, #tpu.memory_space<vmem>>)
    %add3A_152 = arith.constant 192 : i32
    %add3A_153 = arith.addi %mul3A_2, %add3A_152 : i32
    %dma_start3A_154 = arith.constant 0 : i32
    %dma_start3A_155 = tpu.memref_slice %arg4[%add3A_153, %dma_start3A_154] : memref<16384x512xf32, #tpu.memory_space<hbm>> -> memref<32x512xf32, #tpu.memory_space<hbm>>
    %dma_start3A_156 = arith.constant 0 : i32
    %dma_start3A_157 = tpu.memref_slice %arg4[%add3A_153, %dma_start3A_156] : memref<16384x512xf32, #tpu.memory_space<hbm>> -> memref<32x512xf32, #tpu.memory_space<hbm>>
    tpu.enqueue_dma source(%arg12 : memref<32x512xf32, #tpu.memory_space<vmem>>) target(%dma_start3A_157 : memref<32x512xf32, #tpu.memory_space<hbm>>) target_semaphore(%arg26 : memref<!tpu.dma_semaphore, #tpu.memory_space<semaphore_mem>>)
    %dma_wait3A_158 = arith.constant 0 : i32
    %dma_wait3A_159 = tpu.memref_slice %arg4[%add3A_133, %dma_wait3A_158] : memref<16384x512xf32, #tpu.memory_space<hbm>> -> memref<32x512xf32, #tpu.memory_space<hbm>>
    %dma_wait3A_160 = arith.constant 0 : i32
    %dma_wait3A_161 = tpu.memref_slice %arg4[%add3A_133, %dma_wait3A_160] : memref<16384x512xf32, #tpu.memory_space<hbm>> -> memref<32x512xf32, #tpu.memory_space<hbm>>
    tpu.wait_dma2 semaphore(%arg25 : memref<!tpu.dma_semaphore, #tpu.memory_space<semaphore_mem>>) src(%arg11 : memref<32x512xf32, #tpu.memory_space<vmem>>) dst(%dma_wait3A_161 : memref<32x512xf32, #tpu.memory_space<hbm>>)
    %dma_start3A_162 = arith.constant 384 : i32
    %dma_start3A_163 = tpu.memref_slice %arg5[%dma_start3A_162] : memref<512xi32, #tpu.memory_space<vmem>> -> memref<32xi32, #tpu.memory_space<vmem>>
    %dma_start3A_164 = arith.constant 0 : i32
    %dma_start3A_165 = arith.constant 0 : i32
    %dma_start3A_166 = tpu.memref_slice %arg3[%dma_start3A_164, %dma_start3A_165] : memref<100000x512xf32, #tpu.memory_space<hbm>> -> memref<100000x512xf32, #tpu.memory_space<hbm>>
    tpu.enqueue_indirect_dma source(%dma_start3A_166 : memref<100000x512xf32, #tpu.memory_space<hbm>>) target(%arg11 : memref<32x512xf32, #tpu.memory_space<vmem>>) offsets(%dma_start3A_163 : memref<32xi32, #tpu.memory_space<vmem>>) semaphore(%arg18 : memref<!tpu.dma_semaphore, #tpu.memory_space<semaphore_mem>>)
    %dma_wait3A_167 = arith.constant 224 : i32
    %dma_wait3A_168 = tpu.memref_slice %arg5[%dma_wait3A_167] : memref<512xi32, #tpu.memory_space<vmem>> -> memref<32xi32, #tpu.memory_space<vmem>>
    %dma_wait3A_169 = arith.constant 0 : i32
    %dma_wait3A_170 = arith.constant 0 : i32
    %dma_wait3A_171 = tpu.memref_slice %arg3[%dma_wait3A_169, %dma_wait3A_170] : memref<100000x512xf32, #tpu.memory_space<hbm>> -> memref<100000x512xf32, #tpu.memory_space<hbm>>
    tpu.wait_indirect_dma semaphore(%arg13 : memref<!tpu.dma_semaphore, #tpu.memory_space<semaphore_mem>>) src(%dma_wait3A_171 : memref<100000x512xf32, #tpu.memory_space<hbm>>) dst(%arg6 : memref<32x512xf32, #tpu.memory_space<vmem>>)
    %add3A_172 = arith.constant 224 : i32
    %add3A_173 = arith.addi %mul3A_2, %add3A_172 : i32
    %dma_start3A_174 = arith.constant 0 : i32
    %dma_start3A_175 = tpu.memref_slice %arg4[%add3A_173, %dma_start3A_174] : memref<16384x512xf32, #tpu.memory_space<hbm>> -> memref<32x512xf32, #tpu.memory_space<hbm>>
    %dma_start3A_176 = arith.constant 0 : i32
    %dma_start3A_177 = tpu.memref_slice %arg4[%add3A_173, %dma_start3A_176] : memref<16384x512xf32, #tpu.memory_space<hbm>> -> memref<32x512xf32, #tpu.memory_space<hbm>>
    tpu.enqueue_dma source(%arg6 : memref<32x512xf32, #tpu.memory_space<vmem>>) target(%dma_start3A_177 : memref<32x512xf32, #tpu.memory_space<hbm>>) target_semaphore(%arg20 : memref<!tpu.dma_semaphore, #tpu.memory_space<semaphore_mem>>)
    %dma_wait3A_178 = arith.constant 0 : i32
    %dma_wait3A_179 = tpu.memref_slice %arg4[%add3A_153, %dma_wait3A_178] : memref<16384x512xf32, #tpu.memory_space<hbm>> -> memref<32x512xf32, #tpu.memory_space<hbm>>
    %dma_wait3A_180 = arith.constant 0 : i32
    %dma_wait3A_181 = tpu.memref_slice %arg4[%add3A_153, %dma_wait3A_180] : memref<16384x512xf32, #tpu.memory_space<hbm>> -> memref<32x512xf32, #tpu.memory_space<hbm>>
    tpu.wait_dma2 semaphore(%arg26 : memref<!tpu.dma_semaphore, #tpu.memory_space<semaphore_mem>>) src(%arg12 : memref<32x512xf32, #tpu.memory_space<vmem>>) dst(%dma_wait3A_181 : memref<32x512xf32, #tpu.memory_space<hbm>>)
    %dma_start3A_182 = arith.constant 416 : i32
    %dma_start3A_183 = tpu.memref_slice %arg5[%dma_start3A_182] : memref<512xi32, #tpu.memory_space<vmem>> -> memref<32xi32, #tpu.memory_space<vmem>>
    %dma_start3A_184 = arith.constant 0 : i32
    %dma_start3A_185 = arith.constant 0 : i32
    %dma_start3A_186 = tpu.memref_slice %arg3[%dma_start3A_184, %dma_start3A_185] : memref<100000x512xf32, #tpu.memory_space<hbm>> -> memref<100000x512xf32, #tpu.memory_space<hbm>>
    tpu.enqueue_indirect_dma source(%dma_start3A_186 : memref<100000x512xf32, #tpu.memory_space<hbm>>) target(%arg12 : memref<32x512xf32, #tpu.memory_space<vmem>>) offsets(%dma_start3A_183 : memref<32xi32, #tpu.memory_space<vmem>>) semaphore(%arg19 : memref<!tpu.dma_semaphore, #tpu.memory_space<semaphore_mem>>)
    %dma_wait3A_187 = arith.constant 256 : i32
    %dma_wait3A_188 = tpu.memref_slice %arg5[%dma_wait3A_187] : memref<512xi32, #tpu.memory_space<vmem>> -> memref<32xi32, #tpu.memory_space<vmem>>
    %dma_wait3A_189 = arith.constant 0 : i32
    %dma_wait3A_190 = arith.constant 0 : i32
    %dma_wait3A_191 = tpu.memref_slice %arg3[%dma_wait3A_189, %dma_wait3A_190] : memref<100000x512xf32, #tpu.memory_space<hbm>> -> memref<100000x512xf32, #tpu.memory_space<hbm>>
    tpu.wait_indirect_dma semaphore(%arg14 : memref<!tpu.dma_semaphore, #tpu.memory_space<semaphore_mem>>) src(%dma_wait3A_191 : memref<100000x512xf32, #tpu.memory_space<hbm>>) dst(%arg7 : memref<32x512xf32, #tpu.memory_space<vmem>>)
    %add3A_192 = arith.constant 256 : i32
    %add3A_193 = arith.addi %mul3A_2, %add3A_192 : i32
    %dma_start3A_194 = arith.constant 0 : i32
    %dma_start3A_195 = tpu.memref_slice %arg4[%add3A_193, %dma_start3A_194] : memref<16384x512xf32, #tpu.memory_space<hbm>> -> memref<32x512xf32, #tpu.memory_space<hbm>>
    %dma_start3A_196 = arith.constant 0 : i32
    %dma_start3A_197 = tpu.memref_slice %arg4[%add3A_193, %dma_start3A_196] : memref<16384x512xf32, #tpu.memory_space<hbm>> -> memref<32x512xf32, #tpu.memory_space<hbm>>
    tpu.enqueue_dma source(%arg7 : memref<32x512xf32, #tpu.memory_space<vmem>>) target(%dma_start3A_197 : memref<32x512xf32, #tpu.memory_space<hbm>>) target_semaphore(%arg21 : memref<!tpu.dma_semaphore, #tpu.memory_space<semaphore_mem>>)
    %dma_wait3A_198 = arith.constant 0 : i32
    %dma_wait3A_199 = tpu.memref_slice %arg4[%add3A_173, %dma_wait3A_198] : memref<16384x512xf32, #tpu.memory_space<hbm>> -> memref<32x512xf32, #tpu.memory_space<hbm>>
    %dma_wait3A_200 = arith.constant 0 : i32
    %dma_wait3A_201 = tpu.memref_slice %arg4[%add3A_173, %dma_wait3A_200] : memref<16384x512xf32, #tpu.memory_space<hbm>> -> memref<32x512xf32, #tpu.memory_space<hbm>>
    tpu.wait_dma2 semaphore(%arg20 : memref<!tpu.dma_semaphore, #tpu.memory_space<semaphore_mem>>) src(%arg6 : memref<32x512xf32, #tpu.memory_space<vmem>>) dst(%dma_wait3A_201 : memref<32x512xf32, #tpu.memory_space<hbm>>)
    %dma_start3A_202 = arith.constant 448 : i32
    %dma_start3A_203 = tpu.memref_slice %arg5[%dma_start3A_202] : memref<512xi32, #tpu.memory_space<vmem>> -> memref<32xi32, #tpu.memory_space<vmem>>
    %dma_start3A_204 = arith.constant 0 : i32
    %dma_start3A_205 = arith.constant 0 : i32
    %dma_start3A_206 = tpu.memref_slice %arg3[%dma_start3A_204, %dma_start3A_205] : memref<100000x512xf32, #tpu.memory_space<hbm>> -> memref<100000x512xf32, #tpu.memory_space<hbm>>
    tpu.enqueue_indirect_dma source(%dma_start3A_206 : memref<100000x512xf32, #tpu.memory_space<hbm>>) target(%arg6 : memref<32x512xf32, #tpu.memory_space<vmem>>) offsets(%dma_start3A_203 : memref<32xi32, #tpu.memory_space<vmem>>) semaphore(%arg13 : memref<!tpu.dma_semaphore, #tpu.memory_space<semaphore_mem>>)
    %dma_wait3A_207 = arith.constant 288 : i32
    %dma_wait3A_208 = tpu.memref_slice %arg5[%dma_wait3A_207] : memref<512xi32, #tpu.memory_space<vmem>> -> memref<32xi32, #tpu.memory_space<vmem>>
    %dma_wait3A_209 = arith.constant 0 : i32
    %dma_wait3A_210 = arith.constant 0 : i32
    %dma_wait3A_211 = tpu.memref_slice %arg3[%dma_wait3A_209, %dma_wait3A_210] : memref<100000x512xf32, #tpu.memory_space<hbm>> -> memref<100000x512xf32, #tpu.memory_space<hbm>>
    tpu.wait_indirect_dma semaphore(%arg15 : memref<!tpu.dma_semaphore, #tpu.memory_space<semaphore_mem>>) src(%dma_wait3A_211 : memref<100000x512xf32, #tpu.memory_space<hbm>>) dst(%arg8 : memref<32x512xf32, #tpu.memory_space<vmem>>)
    %add3A_212 = arith.constant 288 : i32
    %add3A_213 = arith.addi %mul3A_2, %add3A_212 : i32
    %dma_start3A_214 = arith.constant 0 : i32
    %dma_start3A_215 = tpu.memref_slice %arg4[%add3A_213, %dma_start3A_214] : memref<16384x512xf32, #tpu.memory_space<hbm>> -> memref<32x512xf32, #tpu.memory_space<hbm>>
    %dma_start3A_216 = arith.constant 0 : i32
    %dma_start3A_217 = tpu.memref_slice %arg4[%add3A_213, %dma_start3A_216] : memref<16384x512xf32, #tpu.memory_space<hbm>> -> memref<32x512xf32, #tpu.memory_space<hbm>>
    tpu.enqueue_dma source(%arg8 : memref<32x512xf32, #tpu.memory_space<vmem>>) target(%dma_start3A_217 : memref<32x512xf32, #tpu.memory_space<hbm>>) target_semaphore(%arg22 : memref<!tpu.dma_semaphore, #tpu.memory_space<semaphore_mem>>)
    %dma_wait3A_218 = arith.constant 0 : i32
    %dma_wait3A_219 = tpu.memref_slice %arg4[%add3A_193, %dma_wait3A_218] : memref<16384x512xf32, #tpu.memory_space<hbm>> -> memref<32x512xf32, #tpu.memory_space<hbm>>
    %dma_wait3A_220 = arith.constant 0 : i32
    %dma_wait3A_221 = tpu.memref_slice %arg4[%add3A_193, %dma_wait3A_220] : memref<16384x512xf32, #tpu.memory_space<hbm>> -> memref<32x512xf32, #tpu.memory_space<hbm>>
    tpu.wait_dma2 semaphore(%arg21 : memref<!tpu.dma_semaphore, #tpu.memory_space<semaphore_mem>>) src(%arg7 : memref<32x512xf32, #tpu.memory_space<vmem>>) dst(%dma_wait3A_221 : memref<32x512xf32, #tpu.memory_space<hbm>>)
    %dma_start3A_222 = arith.constant 480 : i32
    %dma_start3A_223 = tpu.memref_slice %arg5[%dma_start3A_222] : memref<512xi32, #tpu.memory_space<vmem>> -> memref<32xi32, #tpu.memory_space<vmem>>
    %dma_start3A_224 = arith.constant 0 : i32
    %dma_start3A_225 = arith.constant 0 : i32
    %dma_start3A_226 = tpu.memref_slice %arg3[%dma_start3A_224, %dma_start3A_225] : memref<100000x512xf32, #tpu.memory_space<hbm>> -> memref<100000x512xf32, #tpu.memory_space<hbm>>
    tpu.enqueue_indirect_dma source(%dma_start3A_226 : memref<100000x512xf32, #tpu.memory_space<hbm>>) target(%arg7 : memref<32x512xf32, #tpu.memory_space<vmem>>) offsets(%dma_start3A_223 : memref<32xi32, #tpu.memory_space<vmem>>) semaphore(%arg14 : memref<!tpu.dma_semaphore, #tpu.memory_space<semaphore_mem>>)
    %dma_wait3A_227 = arith.constant 320 : i32
    %dma_wait3A_228 = tpu.memref_slice %arg5[%dma_wait3A_227] : memref<512xi32, #tpu.memory_space<vmem>> -> memref<32xi32, #tpu.memory_space<vmem>>
    %dma_wait3A_229 = arith.constant 0 : i32
    %dma_wait3A_230 = arith.constant 0 : i32
    %dma_wait3A_231 = tpu.memref_slice %arg3[%dma_wait3A_229, %dma_wait3A_230] : memref<100000x512xf32, #tpu.memory_space<hbm>> -> memref<100000x512xf32, #tpu.memory_space<hbm>>
    tpu.wait_indirect_dma semaphore(%arg16 : memref<!tpu.dma_semaphore, #tpu.memory_space<semaphore_mem>>) src(%dma_wait3A_231 : memref<100000x512xf32, #tpu.memory_space<hbm>>) dst(%arg9 : memref<32x512xf32, #tpu.memory_space<vmem>>)
    %add3A_232 = arith.constant 320 : i32
    %add3A_233 = arith.addi %mul3A_2, %add3A_232 : i32
    %dma_start3A_234 = arith.constant 0 : i32
    %dma_start3A_235 = tpu.memref_slice %arg4[%add3A_233, %dma_start3A_234] : memref<16384x512xf32, #tpu.memory_space<hbm>> -> memref<32x512xf32, #tpu.memory_space<hbm>>
    %dma_start3A_236 = arith.constant 0 : i32
    %dma_start3A_237 = tpu.memref_slice %arg4[%add3A_233, %dma_start3A_236] : memref<16384x512xf32, #tpu.memory_space<hbm>> -> memref<32x512xf32, #tpu.memory_space<hbm>>
    tpu.enqueue_dma source(%arg9 : memref<32x512xf32, #tpu.memory_space<vmem>>) target(%dma_start3A_237 : memref<32x512xf32, #tpu.memory_space<hbm>>) target_semaphore(%arg23 : memref<!tpu.dma_semaphore, #tpu.memory_space<semaphore_mem>>)
    %dma_wait3A_238 = arith.constant 352 : i32
    %dma_wait3A_239 = tpu.memref_slice %arg5[%dma_wait3A_238] : memref<512xi32, #tpu.memory_space<vmem>> -> memref<32xi32, #tpu.memory_space<vmem>>
    %dma_wait3A_240 = arith.constant 0 : i32
    %dma_wait3A_241 = arith.constant 0 : i32
    %dma_wait3A_242 = tpu.memref_slice %arg3[%dma_wait3A_240, %dma_wait3A_241] : memref<100000x512xf32, #tpu.memory_space<hbm>> -> memref<100000x512xf32, #tpu.memory_space<hbm>>
    tpu.wait_indirect_dma semaphore(%arg17 : memref<!tpu.dma_semaphore, #tpu.memory_space<semaphore_mem>>) src(%dma_wait3A_242 : memref<100000x512xf32, #tpu.memory_space<hbm>>) dst(%arg10 : memref<32x512xf32, #tpu.memory_space<vmem>>)
    %add3A_243 = arith.constant 352 : i32
    %add3A_244 = arith.addi %mul3A_2, %add3A_243 : i32
    %dma_start3A_245 = arith.constant 0 : i32
    %dma_start3A_246 = tpu.memref_slice %arg4[%add3A_244, %dma_start3A_245] : memref<16384x512xf32, #tpu.memory_space<hbm>> -> memref<32x512xf32, #tpu.memory_space<hbm>>
    %dma_start3A_247 = arith.constant 0 : i32
    %dma_start3A_248 = tpu.memref_slice %arg4[%add3A_244, %dma_start3A_247] : memref<16384x512xf32, #tpu.memory_space<hbm>> -> memref<32x512xf32, #tpu.memory_space<hbm>>
    tpu.enqueue_dma source(%arg10 : memref<32x512xf32, #tpu.memory_space<vmem>>) target(%dma_start3A_248 : memref<32x512xf32, #tpu.memory_space<hbm>>) target_semaphore(%arg24 : memref<!tpu.dma_semaphore, #tpu.memory_space<semaphore_mem>>)
    %dma_wait3A_249 = arith.constant 384 : i32
    %dma_wait3A_250 = tpu.memref_slice %arg5[%dma_wait3A_249] : memref<512xi32, #tpu.memory_space<vmem>> -> memref<32xi32, #tpu.memory_space<vmem>>
    %dma_wait3A_251 = arith.constant 0 : i32
    %dma_wait3A_252 = arith.constant 0 : i32
    %dma_wait3A_253 = tpu.memref_slice %arg3[%dma_wait3A_251, %dma_wait3A_252] : memref<100000x512xf32, #tpu.memory_space<hbm>> -> memref<100000x512xf32, #tpu.memory_space<hbm>>
    tpu.wait_indirect_dma semaphore(%arg18 : memref<!tpu.dma_semaphore, #tpu.memory_space<semaphore_mem>>) src(%dma_wait3A_253 : memref<100000x512xf32, #tpu.memory_space<hbm>>) dst(%arg11 : memref<32x512xf32, #tpu.memory_space<vmem>>)
    %add3A_254 = arith.constant 384 : i32
    %add3A_255 = arith.addi %mul3A_2, %add3A_254 : i32
    %dma_start3A_256 = arith.constant 0 : i32
    %dma_start3A_257 = tpu.memref_slice %arg4[%add3A_255, %dma_start3A_256] : memref<16384x512xf32, #tpu.memory_space<hbm>> -> memref<32x512xf32, #tpu.memory_space<hbm>>
    %dma_start3A_258 = arith.constant 0 : i32
    %dma_start3A_259 = tpu.memref_slice %arg4[%add3A_255, %dma_start3A_258] : memref<16384x512xf32, #tpu.memory_space<hbm>> -> memref<32x512xf32, #tpu.memory_space<hbm>>
    tpu.enqueue_dma source(%arg11 : memref<32x512xf32, #tpu.memory_space<vmem>>) target(%dma_start3A_259 : memref<32x512xf32, #tpu.memory_space<hbm>>) target_semaphore(%arg25 : memref<!tpu.dma_semaphore, #tpu.memory_space<semaphore_mem>>)
    %dma_wait3A_260 = arith.constant 416 : i32
    %dma_wait3A_261 = tpu.memref_slice %arg5[%dma_wait3A_260] : memref<512xi32, #tpu.memory_space<vmem>> -> memref<32xi32, #tpu.memory_space<vmem>>
    %dma_wait3A_262 = arith.constant 0 : i32
    %dma_wait3A_263 = arith.constant 0 : i32
    %dma_wait3A_264 = tpu.memref_slice %arg3[%dma_wait3A_262, %dma_wait3A_263] : memref<100000x512xf32, #tpu.memory_space<hbm>> -> memref<100000x512xf32, #tpu.memory_space<hbm>>
    tpu.wait_indirect_dma semaphore(%arg19 : memref<!tpu.dma_semaphore, #tpu.memory_space<semaphore_mem>>) src(%dma_wait3A_264 : memref<100000x512xf32, #tpu.memory_space<hbm>>) dst(%arg12 : memref<32x512xf32, #tpu.memory_space<vmem>>)
    %add3A_265 = arith.constant 416 : i32
    %add3A_266 = arith.addi %mul3A_2, %add3A_265 : i32
    %dma_start3A_267 = arith.constant 0 : i32
    %dma_start3A_268 = tpu.memref_slice %arg4[%add3A_266, %dma_start3A_267] : memref<16384x512xf32, #tpu.memory_space<hbm>> -> memref<32x512xf32, #tpu.memory_space<hbm>>
    %dma_start3A_269 = arith.constant 0 : i32
    %dma_start3A_270 = tpu.memref_slice %arg4[%add3A_266, %dma_start3A_269] : memref<16384x512xf32, #tpu.memory_space<hbm>> -> memref<32x512xf32, #tpu.memory_space<hbm>>
    tpu.enqueue_dma source(%arg12 : memref<32x512xf32, #tpu.memory_space<vmem>>) target(%dma_start3A_270 : memref<32x512xf32, #tpu.memory_space<hbm>>) target_semaphore(%arg26 : memref<!tpu.dma_semaphore, #tpu.memory_space<semaphore_mem>>)
    %dma_wait3A_271 = arith.constant 448 : i32
    %dma_wait3A_272 = tpu.memref_slice %arg5[%dma_wait3A_271] : memref<512xi32, #tpu.memory_space<vmem>> -> memref<32xi32, #tpu.memory_space<vmem>>
    %dma_wait3A_273 = arith.constant 0 : i32
    %dma_wait3A_274 = arith.constant 0 : i32
    %dma_wait3A_275 = tpu.memref_slice %arg3[%dma_wait3A_273, %dma_wait3A_274] : memref<100000x512xf32, #tpu.memory_space<hbm>> -> memref<100000x512xf32, #tpu.memory_space<hbm>>
    tpu.wait_indirect_dma semaphore(%arg13 : memref<!tpu.dma_semaphore, #tpu.memory_space<semaphore_mem>>) src(%dma_wait3A_275 : memref<100000x512xf32, #tpu.memory_space<hbm>>) dst(%arg6 : memref<32x512xf32, #tpu.memory_space<vmem>>)
    %add3A_276 = arith.constant 448 : i32
    %add3A_277 = arith.addi %mul3A_2, %add3A_276 : i32
    %dma_start3A_278 = arith.constant 0 : i32
    %dma_start3A_279 = tpu.memref_slice %arg4[%add3A_277, %dma_start3A_278] : memref<16384x512xf32, #tpu.memory_space<hbm>> -> memref<32x512xf32, #tpu.memory_space<hbm>>
    %dma_start3A_280 = arith.constant 0 : i32
    %dma_start3A_281 = tpu.memref_slice %arg4[%add3A_277, %dma_start3A_280] : memref<16384x512xf32, #tpu.memory_space<hbm>> -> memref<32x512xf32, #tpu.memory_space<hbm>>
    tpu.enqueue_dma source(%arg6 : memref<32x512xf32, #tpu.memory_space<vmem>>) target(%dma_start3A_281 : memref<32x512xf32, #tpu.memory_space<hbm>>) target_semaphore(%arg20 : memref<!tpu.dma_semaphore, #tpu.memory_space<semaphore_mem>>)
    %dma_wait3A_282 = arith.constant 480 : i32
    %dma_wait3A_283 = tpu.memref_slice %arg5[%dma_wait3A_282] : memref<512xi32, #tpu.memory_space<vmem>> -> memref<32xi32, #tpu.memory_space<vmem>>
    %dma_wait3A_284 = arith.constant 0 : i32
    %dma_wait3A_285 = arith.constant 0 : i32
    %dma_wait3A_286 = tpu.memref_slice %arg3[%dma_wait3A_284, %dma_wait3A_285] : memref<100000x512xf32, #tpu.memory_space<hbm>> -> memref<100000x512xf32, #tpu.memory_space<hbm>>
    tpu.wait_indirect_dma semaphore(%arg14 : memref<!tpu.dma_semaphore, #tpu.memory_space<semaphore_mem>>) src(%dma_wait3A_286 : memref<100000x512xf32, #tpu.memory_space<hbm>>) dst(%arg7 : memref<32x512xf32, #tpu.memory_space<vmem>>)
    %add3A_287 = arith.constant 480 : i32
    %add3A_288 = arith.addi %mul3A_2, %add3A_287 : i32
    %dma_start3A_289 = arith.constant 0 : i32
    %dma_start3A_290 = tpu.memref_slice %arg4[%add3A_288, %dma_start3A_289] : memref<16384x512xf32, #tpu.memory_space<hbm>> -> memref<32x512xf32, #tpu.memory_space<hbm>>
    %dma_start3A_291 = arith.constant 0 : i32
    %dma_start3A_292 = tpu.memref_slice %arg4[%add3A_288, %dma_start3A_291] : memref<16384x512xf32, #tpu.memory_space<hbm>> -> memref<32x512xf32, #tpu.memory_space<hbm>>
    tpu.enqueue_dma source(%arg7 : memref<32x512xf32, #tpu.memory_space<vmem>>) target(%dma_start3A_292 : memref<32x512xf32, #tpu.memory_space<hbm>>) target_semaphore(%arg21 : memref<!tpu.dma_semaphore, #tpu.memory_space<semaphore_mem>>)
    %dma_wait3A_293 = arith.constant 0 : i32
    %dma_wait3A_294 = tpu.memref_slice %arg4[%add3A_213, %dma_wait3A_293] : memref<16384x512xf32, #tpu.memory_space<hbm>> -> memref<32x512xf32, #tpu.memory_space<hbm>>
    %dma_wait3A_295 = arith.constant 0 : i32
    %dma_wait3A_296 = tpu.memref_slice %arg4[%add3A_213, %dma_wait3A_295] : memref<16384x512xf32, #tpu.memory_space<hbm>> -> memref<32x512xf32, #tpu.memory_space<hbm>>
    tpu.wait_dma2 semaphore(%arg22 : memref<!tpu.dma_semaphore, #tpu.memory_space<semaphore_mem>>) src(%arg8 : memref<32x512xf32, #tpu.memory_space<vmem>>) dst(%dma_wait3A_296 : memref<32x512xf32, #tpu.memory_space<hbm>>)
    %dma_wait3A_297 = arith.constant 0 : i32
    %dma_wait3A_298 = tpu.memref_slice %arg4[%add3A_233, %dma_wait3A_297] : memref<16384x512xf32, #tpu.memory_space<hbm>> -> memref<32x512xf32, #tpu.memory_space<hbm>>
    %dma_wait3A_299 = arith.constant 0 : i32
    %dma_wait3A_300 = tpu.memref_slice %arg4[%add3A_233, %dma_wait3A_299] : memref<16384x512xf32, #tpu.memory_space<hbm>> -> memref<32x512xf32, #tpu.memory_space<hbm>>
    tpu.wait_dma2 semaphore(%arg23 : memref<!tpu.dma_semaphore, #tpu.memory_space<semaphore_mem>>) src(%arg9 : memref<32x512xf32, #tpu.memory_space<vmem>>) dst(%dma_wait3A_300 : memref<32x512xf32, #tpu.memory_space<hbm>>)
    %dma_wait3A_301 = arith.constant 0 : i32
    %dma_wait3A_302 = tpu.memref_slice %arg4[%add3A_244, %dma_wait3A_301] : memref<16384x512xf32, #tpu.memory_space<hbm>> -> memref<32x512xf32, #tpu.memory_space<hbm>>
    %dma_wait3A_303 = arith.constant 0 : i32
    %dma_wait3A_304 = tpu.memref_slice %arg4[%add3A_244, %dma_wait3A_303] : memref<16384x512xf32, #tpu.memory_space<hbm>> -> memref<32x512xf32, #tpu.memory_space<hbm>>
    tpu.wait_dma2 semaphore(%arg24 : memref<!tpu.dma_semaphore, #tpu.memory_space<semaphore_mem>>) src(%arg10 : memref<32x512xf32, #tpu.memory_space<vmem>>) dst(%dma_wait3A_304 : memref<32x512xf32, #tpu.memory_space<hbm>>)
    %dma_wait3A_305 = arith.constant 0 : i32
    %dma_wait3A_306 = tpu.memref_slice %arg4[%add3A_255, %dma_wait3A_305] : memref<16384x512xf32, #tpu.memory_space<hbm>> -> memref<32x512xf32, #tpu.memory_space<hbm>>
    %dma_wait3A_307 = arith.constant 0 : i32
    %dma_wait3A_308 = tpu.memref_slice %arg4[%add3A_255, %dma_wait3A_307] : memref<16384x512xf32, #tpu.memory_space<hbm>> -> memref<32x512xf32, #tpu.memory_space<hbm>>
    tpu.wait_dma2 semaphore(%arg25 : memref<!tpu.dma_semaphore, #tpu.memory_space<semaphore_mem>>) src(%arg11 : memref<32x512xf32, #tpu.memory_space<vmem>>) dst(%dma_wait3A_308 : memref<32x512xf32, #tpu.memory_space<hbm>>)
    %dma_wait3A_309 = arith.constant 0 : i32
    %dma_wait3A_310 = tpu.memref_slice %arg4[%add3A_266, %dma_wait3A_309] : memref<16384x512xf32, #tpu.memory_space<hbm>> -> memref<32x512xf32, #tpu.memory_space<hbm>>
    %dma_wait3A_311 = arith.constant 0 : i32
    %dma_wait3A_312 = tpu.memref_slice %arg4[%add3A_266, %dma_wait3A_311] : memref<16384x512xf32, #tpu.memory_space<hbm>> -> memref<32x512xf32, #tpu.memory_space<hbm>>
    tpu.wait_dma2 semaphore(%arg26 : memref<!tpu.dma_semaphore, #tpu.memory_space<semaphore_mem>>) src(%arg12 : memref<32x512xf32, #tpu.memory_space<vmem>>) dst(%dma_wait3A_312 : memref<32x512xf32, #tpu.memory_space<hbm>>)
    %dma_wait3A_313 = arith.constant 0 : i32
    %dma_wait3A_314 = tpu.memref_slice %arg4[%add3A_277, %dma_wait3A_313] : memref<16384x512xf32, #tpu.memory_space<hbm>> -> memref<32x512xf32, #tpu.memory_space<hbm>>
    %dma_wait3A_315 = arith.constant 0 : i32
    %dma_wait3A_316 = tpu.memref_slice %arg4[%add3A_277, %dma_wait3A_315] : memref<16384x512xf32, #tpu.memory_space<hbm>> -> memref<32x512xf32, #tpu.memory_space<hbm>>
    tpu.wait_dma2 semaphore(%arg20 : memref<!tpu.dma_semaphore, #tpu.memory_space<semaphore_mem>>) src(%arg6 : memref<32x512xf32, #tpu.memory_space<vmem>>) dst(%dma_wait3A_316 : memref<32x512xf32, #tpu.memory_space<hbm>>)
    %dma_wait3A_317 = arith.constant 0 : i32
    %dma_wait3A_318 = tpu.memref_slice %arg4[%add3A_288, %dma_wait3A_317] : memref<16384x512xf32, #tpu.memory_space<hbm>> -> memref<32x512xf32, #tpu.memory_space<hbm>>
    %dma_wait3A_319 = arith.constant 0 : i32
    %dma_wait3A_320 = tpu.memref_slice %arg4[%add3A_288, %dma_wait3A_319] : memref<16384x512xf32, #tpu.memory_space<hbm>> -> memref<32x512xf32, #tpu.memory_space<hbm>>
    tpu.wait_dma2 semaphore(%arg21 : memref<!tpu.dma_semaphore, #tpu.memory_space<semaphore_mem>>) src(%arg7 : memref<32x512xf32, #tpu.memory_space<vmem>>) dst(%dma_wait3A_320 : memref<32x512xf32, #tpu.memory_space<hbm>>)
    return
  }
}

</mosaic_0001>

<sc_bundles>
// kernel: kernel.3.cloned.1.call-start
scs
__scs_entry_jumppad:
0x0: {  	(pc) =	sbr.rel $0x88, $3  }
0x1: {  	(tag) =	ssettag $0x0;
	lr =	simm.s32 $0x1  }
0x2: {  	[smem:$0x3F9F] =	sst lr;
	_ =	strace $0xD0000000  }
0x3: {  	_ = 	snop  }
0x4: {  	_ = 	snop  }
0x5: {  	_ = 	snop  }
0x6: {  	_ = 	snop  }
0x7: {  	_ = 	snop  }
__scs_overlays_trampoline_lowered:
0x8: {  	[smem:$0x3FAE] =	sst s0  }
0x9: {  	[smem:$0x3FAF] =	sst s1  }
0xa: {  	[smem:$0x3FB0] =	sst s2  }
0xb: {  	[smem:$0x3FB1] =	sst s3  }
0xc: {  	[smem:$0x3FB2] =	sst s4  }
0xd: {  	[smem:$0x3FB3] =	sst s5  }
0xe: {  	[smem:$0x3FB4] =	sst s6  }
0xf: {  	[smem:$0x3FB5] =	sst s7  }
0x10: {  	[smem:$0x3FB6] =	sst s8  }
0x11: {  	[smem:$0x3FB7] =	sst s9;
	s0 =	simm.s32 @!p0 $0x0  }
0x12: {  	s1 =	sld [smem:$0x3F9D];
	s0 =	simm.s32 @p0 $0x1  }
0x13: {  	[smem:$0x3FB8] =	sst s0;
	s0 =	simm.s32 @!p1 $0x0  }
0x14: {  	s2 =	sld [smem:$0x3F9C];
	s0 =	simm.s32 @p1 $0x1  }
0x15: {  	[smem:$0x3FB9] =	sst s0;
	s0 =	simm.s32 @!p2 $0x0  }
0x16: {  	s3 =	sld [smem:$0x3FDB];
	s0 =	simm.s32 @p2 $0x1  }
0x17: {  	s4 =	simm.s32 $0x1BF5;
	[smem:$0x3FBB] =	sst s0  }
0x18: {  	s0 =	sld [smem:$0x3F9E];
	_ =	swait.ge [sflag:s4], $0x0  }
0x19: {  	s7 =	sld [smem:$0x3F9F]  }
0x1a: {  	s8 =	sadd.s32 $0xFFFFE003, lr  }
0x1b: {  	s9 =	sadd.s32 $0xFFFFFEF7, lr;
	s5 =	simm.s32 $0xFFFFFFFF;
	p2 =	slt.u32 s8, $0xFFFFF086  }
0x1c: {  	p1 =	slt.u32 s9, $0xF7A;
	s5 =	simm.s32 @!p2 $0x0  }
0x1d: {  	s5 =	simm.s32 @p1 $0x1;
	p0 =	seq.s32 s7, s2  }
0x1e: {  	s7 =	smul.u32 @!p0 $0xF7A, s2;
	p2 =	seq.s32 @!p0 s5, $0x0  }
0x1f: {  	s9 =	smul.u32 $0xF7A, s1;
	s8 =	simm.s32 @!p0 $0x1BF5;
	p2 =	por !p2, p0  }
0x20: {  	[sflag:s8] =	ssyncset.s32 @!p0 $0xFFFFF086;
	s6 =	sadd.s32 @!p0 s3, s7;
	s7 =	simm.s32 @!p0 $0x108  }
0x21: {  	s3 =	sadd.s32 s3, s9;
	s6 =	sadd.s32 @!p0 $0x88, s6;
	s7 =	simm.s32 @p2 $0x1082  }
0x22: {  	[simem:s7], [sflag:s8] =	dma.local @!p0 [hbm:s6], $0xF7A  }
0x23: {  	s9 =	sor.u32 $0xD0000000, s2;
	s6 =	simm.s32 $0x108;
	_ =	swait.ge @!p0 [sflag:s8], $0x0  }
0x24: {  	s3 =	sadd.s32 $0x88, s3;
	s6 =	simm.s32 @!p1 $0x1082;
	[sflag:s4] =	ssyncset.s32 $0xFFFFF086  }
0x25: {  	[simem:s6], [sflag:s4] =	dma.local [hbm:s3], $0xF7A  }
0x26: {  	[smem:$0x3F9F] =	sst s1;
	(tag) =	ssettag s2;
	_ =	strace s9  }
0x27: {  	s1 =	sld [smem:$0x3FAF]  }
0x28: {  	s2 =	sld [smem:$0x3FB0]  }
0x29: {  	s4 =	sld [smem:$0x3FB2]  }
0x2a: {  	p0 =	seq.s32 s5, $0x0;
	s5 =	sld [smem:$0x3FB3]  }
0x2b: {  	s6 =	sld [smem:$0x3FB4]  }
0x2c: {  	s7 =	sld [smem:$0x3FB5]  }
0x2d: {  	s3 =	simm.s32 $0x108;
	s8 =	sld [smem:$0x3FB6]  }
0x2e: {  	s3 =	simm.s32 @!p0 $0x1082;
	s9 =	sld [smem:$0x3FB7]  }
0x2f: {  	lr =	sadd.s32 s0, s3;
	s0 =	sld [smem:$0x3FAE]  }
0x30: {  	s3 =	sld [smem:$0x3FB1]  }
0x31: {  	[smem:$0x3FBA] =	sst s10  }
0x32: {  	s10 =	sld [smem:$0x3FB8];
	_ =	sdelay $0x3  }
0x33: {  	p0 =	seq.s32 s10, $0x1;
	s10 =	sld [smem:$0x3FBA];
	_ =	sdelay $0x3  }
0x34: {  	[smem:$0x3FBA] =	sst s10  }
0x35: {  	s10 =	sld [smem:$0x3FB9];
	_ =	sdelay $0x3  }
0x36: {  	p1 =	seq.s32 s10, $0x1;
	s10 =	sld [smem:$0x3FBA];
	_ =	sdelay $0x3  }
0x37: {  	[smem:$0x3FBA] =	sst s10  }
0x38: {  	s10 =	sld [smem:$0x3FBB]  }
0x39: {  	_ = 	snop;
	(pc) =	sbr.ind lr, $3  }
0x3a: {  	_ = 	snop  }
0x3b: {  	_ = 	snop  }
0x3c: {  	p2 =	seq.s32 s10, $0x1;
	s10 =	sld [smem:$0x3FBA]  }
0x3d: {  	_ =	shalt  }
0x3e: {  	_ =	shalt  }
0x3f: {  	_ =	shalt  }
0x40: {  	_ =	shalt  }
0x41: {  	_ =	shalt  }
0x42: {  	_ =	shalt  }
0x43: {  	_ =	shalt  }
0x44: {  	_ =	shalt  }
0x45: {  	_ =	shalt  }
0x46: {  	_ =	shalt  }
0x47: {  	_ =	shalt  }
0x48: {  	_ =	shalt  }
0x49: {  	_ =	shalt  }
0x4a: {  	_ =	shalt  }
0x4b: {  	_ =	shalt  }
0x4c: {  	_ =	shalt  }
0x4d: {  	_ =	shalt  }
0x4e: {  	_ =	shalt  }
0x4f: {  	_ =	shalt  }
0x50: {  	_ =	shalt  }
0x51: {  	_ =	shalt  }
0x52: {  	_ =	shalt  }
0x53: {  	_ =	shalt  }
0x54: {  	_ =	shalt  }
0x55: {  	_ =	shalt  }
0x56: {  	_ =	shalt  }
0x57: {  	_ =	shalt  }
0x58: {  	_ =	shalt  }
0x59: {  	_ =	shalt  }
0x5a: {  	_ =	shalt  }
0x5b: {  	_ =	shalt  }
0x5c: {  	_ =	shalt  }
0x5d: {  	_ =	shalt  }
0x5e: {  	_ =	shalt  }
0x5f: {  	_ =	shalt  }
0x60: {  	_ =	shalt  }
0x61: {  	_ =	shalt  }
0x62: {  	_ =	shalt  }
0x63: {  	_ =	shalt  }
0x64: {  	_ =	shalt  }
0x65: {  	_ =	shalt  }
0x66: {  	_ =	shalt  }
0x67: {  	_ =	shalt  }
0x68: {  	_ =	shalt  }
0x69: {  	_ =	shalt  }
0x6a: {  	_ =	shalt  }
0x6b: {  	_ =	shalt  }
0x6c: {  	_ =	shalt  }
0x6d: {  	_ =	shalt  }
0x6e: {  	_ =	shalt  }
0x6f: {  	_ =	shalt  }
0x70: {  	_ =	shalt  }
0x71: {  	_ =	shalt  }
0x72: {  	_ =	shalt  }
0x73: {  	_ =	shalt  }
0x74: {  	_ =	shalt  }
0x75: {  	_ =	shalt  }
0x76: {  	_ =	shalt  }
0x77: {  	_ =	shalt  }
0x78: {  	_ =	shalt  }
0x79: {  	_ =	shalt  }
0x7a: {  	_ =	shalt  }
0x7b: {  	_ =	shalt  }
0x7c: {  	_ =	shalt  }
0x7d: {  	_ =	shalt  }
0x7e: {  	_ =	shalt  }
0x7f: {  	_ =	shalt  }
0x80: {  	_ =	shalt  }
0x81: {  	_ =	shalt  }
0x82: {  	_ =	shalt  }
0x83: {  	_ =	shalt  }
0x84: {  	_ =	shalt  }
0x85: {  	_ =	shalt  }
0x86: {  	_ =	shalt  }
0x87: {  	_ =	shalt  }
.Lfunc_end0:
.L_simem_size_0:
called_computation_lowered:
.L_overlay_start_0:
0x88: {  	s2 =	sld [smem:$0x3FD9]  }
0x89: {  	s3 =	sld [smem:$0x3FFE];
	_ =	sdelay $0x1  }
0x8a: {  	s1 =	srdreg.scid  }
0x8b: {  	s0 =	sand.u32 $0x1, s1  }
0x8c: {  	s18 =	sshll.u32 s0, $0xA;
	s2 =	sadd.s32 s3, s2  }
0x8d: {  	s2 =	sadd.s32 s2, s18  }
0x8e: {  	[smem:$0x3FC6] =	sst s2  }
0x8f: {  	_ = 	snop  }
0x90: {  	s2 =	sld [smem:$0x3FC9]  }
0x91: {  	s19 =	sld [smem:$0x3FC8]  }
0x92: {  	s4 =	sld [smem:$0x3FD0];
	(tm) =	ssettm $0x1  }
0x93: {  	s5 =	sld [smem:$0x3FFB];
	_ =	sdelay $0x3  }
0x94: {  	_ =	strace s5  }
0x95: {  	s5 =	sld [smem:$0x3FFC];
	_ =	sdelay $0x3  }
0x96: {  	_ =	strace s5  }
0x97: {  	s5 =	sld [smem:$0x3FFD];
	_ =	sdelay $0x3  }
0x98: {  	_ =	strace s5  }
0x99: {  	_ =	strace $0x8FFFFFFF  }
0x9a: {  	s20 =	sld [smem:$0x3FDB];
	_ =	sdelay $0x1  }
0x9b: {  	s6 =	simm.s32 $_scs_section_size  }
0x9c: {  	s7 =	simm.s32 $_size__tile_overlayer_lowered;
	s8 =	simm.s32 $_tile_overlayer_lowered  }
0x9d: {  	s23 =	simm.s32 $0x1BFF;
	s22 =	sshll.u32 s8, $0x1;
	s5 =	sadd.s32 s6, s20  }
0x9e: {  	s9 =	simm.s32 $0x0;
	s21 =	sshll.u32 s7, $0x1;
	s7 =	sadd.s32 s22, s5  }
0x9f: {  	[timem:s9], [sflag:s23] =	dma.local [hbm:s7], s21  }
0xa0: {  	_ =	swait.ge [sflag:s23], s21  }
0xa1: {  	s6 =	ssub.s32 $0x0, s21;
	[sflag:s23] =	ssyncset.done $0x0  }
0xa2: {  	[sflag:s23] =	ssyncadd.s32 s6;
	_ =	sdelay $0x1  }
0xa3: {  	s24 =	simm.s32 $0x1B8B  }
0xa4: {  	_ =	swait.ge [sflag:s24], $0x1  }
0xa5: {  	[sflag:s24] =	ssyncset.done $0x0  }
0xa6: {  	s25 =	simm.s32 $0x1B8E;
	[sflag:s24] =	ssyncadd.s32 $0xFFFFFFFF  }
0xa7: {  	s26 =	simm.s32 $execute0_lowered;
	[smem:$0x3FD2] =	sst s25  }
0xa8: {  	s6 =	sshll.u32 s26, $0x1;
	_ =	strace $0x80000046;
	[dreg:$0x1] =	wrdreg $0xFFFFFFFF  }
0xa9: {  	s28 =	simm.s32 $_size_execute0_lowered;
	s5 =	sadd.s32 s5, s6;
	[dreg:$0x0] =	wrdreg $0x0  }
0xaa: {  	s6 =	sshll.u32 s28, $0x1;
	[dreg:$0x2] =	wrdreg s5  }
0xab: {  	[dreg:$0x3] =	wrdreg s6  }
0xac: {  	[dreg:$0x4] =	wrdreg $0xC0  }
0xad: {  	_ =	task [dreg:s9], $0x5FFFF  }
0xae: {  	[dreg:$0x1] =	wrdreg $0xFFFFFFFF  }
0xaf: {  	[dreg:$0x0] =	wrdreg $0x60  }
0xb0: {  	[dreg:$0x2] =	wrdreg s2  }
0xb1: {  	[dreg:$0x3] =	wrdreg s19  }
0xb2: {  	[dreg:$0x4] =	wrdreg s4  }
0xb3: {  	[dreg:$0x5] =	wrdreg $0x9  }
0xb4: {  	_ =	task.clear_ibuf [dreg:s9], $0x6FFFF;
	_ =	strace $0x90000046  }
0xb5: {  	s29 =	simm.s32 $0x9;
	_ =	strace $0x80000048  }
0xb6: {  	_ =	swait.ge [sflag:s29], $0x1  }
0xb7: {  	[sflag:s29] =	ssyncadd.s32 $0xFFFFFFFF  }
0xb8: {  	_ =	strace $0x90000048  }
0xb9: {  	_ =	sfence  }
0xba: {  	s30 =	sld [smem:$0x0];
	_ =	sdelay $0x2  }
0xbb: {  	s31 =	sshll.u32 s1, $0xD;
	s1 =	sshrl.u32 s1, $0x2  }
0xbc: {  	s3 =	sand.u32 $0x4000, s31;
	s1 =	sadd.s32 s1, s30  }
0xbd: {  	s0 =	sor.u32 s3, s0;
	s1 =	sshll.u32 s1, $0x11  }
0xbe: {  	s0 =	sor.u32 s1, s0  }
0xbf: {  	s0 =	sadd.s32 $0x8F2B, s0  }
0xc0: {  	[sflag:s0] =	ssyncadd.remote.s32 $0x1  }
0xc1: {  	_ =	sfence.sel $0xFFFF  }
0xc2: {  	[dreg:$0x0] =	wrdreg $0xFFFFFFFF;
	(pc) =	sbr.abs _section_cstart, $3  }
0xc3: {  	[dreg:$0x1] =	wrdreg $0xFFFFFFFF  }
0xc4: {  	_ =	task.clear_ibuf [dreg:s9], $0x2FFFF;
	_ =	strace $0x9FFFFFFF  }
0xc5: {  	(tm) =	ssettm $0x7FFFFFFF  }
tec
execute0_lowered:
.L_overlay_start_1:
0x0: {  	(tag) =	ssettag $0x1  }
0x1: {  	s1 =	srdreg.scid  }
0x2: {  	s3 =	stileid.u32;
	s1 =	sand.u32 $0x1, s1  }
0x3: {  	s0 =	rddreg [dreg:$0x0];
	s5 =	sshll.u32 s3, $0xA;
	s6 =	sshll.u32 s1, $0x9  }
0x4: {  	s2 =	rddreg [dreg:$0x1];
	s5 =	sor.u32 s6, s5  }
0x5: {  	s4 =	rddreg [dreg:$0x2];
	s3 =	simm.s32 $0x0;
	s6 =	sshrl.u32 s5, $0x3  }
0x6: {  	[smem:$0x7FF] =	sst s3;
	s5 =	sshll.u32 s5, $0x6;
	s0 =	sadd.s32 s0, s6  }
0x7: {  	_ =	strace $0x80000047;
	s5 =	sadd.s32 s4, s5;
	[dreg:$0x4] =	wrdreg s0  }
0x8: {  	s12 =	sadd.s32 $0x800, s5;
	[dreg:$0x14] =	wrdreg s5  }
0x9: {  	s13 =	sadd.s32 $0x1000, s5;
	[dreg:$0x5] =	wrdreg s12  }
0xa: {  	s14 =	sadd.s32 $0x1800, s5;
	[dreg:$0x6] =	wrdreg s13  }
0xb: {  	s15 =	sadd.s32 $0x2000, s5;
	[dreg:$0x7] =	wrdreg s14  }
0xc: {  	s29 =	simm.s32 $0x2;
	s16 =	sadd.s32 $0x2800, s5;
	[dreg:$0x8] =	wrdreg s15  }
0xd: {  	s30 =	simm.s32 $0x8;
	s17 =	sadd.s32 $0x3000, s5;
	[dreg:$0x9] =	wrdreg s16  }
0xe: {  	s28 =	simm.s32 $0x9A00;
	s18 =	sadd.s32 $0x3800, s5;
	[dreg:$0xa] =	wrdreg s17  }
0xf: {  	s10 =	simm.s32 $0x14200;
	s19 =	sadd.s32 $0x4000, s5;
	[dreg:$0xb] =	wrdreg s18  }
0x10: {  	s7 =	simm.s32 $0x18200;
	s20 =	sadd.s32 $0x4800, s5;
	[dreg:$0xc] =	wrdreg s19  }
0x11: {  	s1 =	ssub.s32 $0x2, s1;
	s21 =	sadd.s32 $0x5000, s5;
	[dreg:$0xd] =	wrdreg s20  }
0x12: {  	s26 =	sshrl.u32 s1, $0x1;
	s22 =	sadd.s32 $0x5800, s5;
	[dreg:$0xe] =	wrdreg s21  }
0x13: {  	s1 =	ssub.s32 s1, s26;
	s23 =	sadd.s32 $0x6000, s5;
	[dreg:$0xf] =	wrdreg s22  }
0x14: {  	s26 =	simm.s32 $0x4200;
	s24 =	sadd.s32 $0x6800, s5;
	[dreg:$0x10] =	wrdreg s23  }
0x15: {  	s6 =	smax.u32 s1, $0x1;
	s25 =	sadd.s32 $0x7000, s5;
	[dreg:$0x11] =	wrdreg s24  }
0x16: {  	s4 =	simm.s32 $0x9;
	s31 =	sadd.s32 $0x7800, s5;
	[dreg:$0x12] =	wrdreg s25  }
0x17: {  	v2 =	vlaneseq.u32;
	s5 =	sadd.s32 $0x100, s2;
	[dreg:$0x13] =	wrdreg s31;
	s23 =	simm.s32 $0x1  }
0x18: {  	vm0 =	vmmov $0xffff;
	v1 =	vshrl.u32 v2, $0x3;
	s16 =	simm.s32 $0x200;
	s25 =	simm.s32 $0x9200;
	s20 =	simm.s32 $0xB200  }
0x19: {  	v0 =	vand.u32 $0x7, v2;
	v2 =	vor.u32 $0x8, v2;
	v1 =	vmul.u32 $0x8, v1;
	s21 =	simm.s32 $0xBA00;
	s24 =	simm.s32 $0xD200;
	s22 =	simm.s32 $0xC200  }
.LBB2_1:
0x1a: {  	s18 =	rddreg [dreg:$0x4];
	s9 =	simm.s32 $0xF  }
0x1b: {  	[tilespmem:s3], [sflag:$0xF] =	stream.linear.gather [hbm4b:s18+s3], $0x200, $0x38;
	[tilespmem:$0x1C200] =	vst v63  }
0x1c: {  	_ =	swait.ge [sflag:s9], $0x200  }
0x1d: {  	[sflag:s9] =	ssyncset.done $0x0  }
0x1e: {  	[sflag:s9] =	ssyncadd.s32 $0xFFFFFE00  }
0x1f: {  	v3 =	vld [tilespmem:$0x0];
	_ =	sdelay $0x4  }
0x20: {  	v4 =	vshll.u32 v3, $0x2  }
0x21: {  	v3 =	vand.u32 $0x7, v3;
	v4 =	vand.u32 $0xFFFFFFE0, v4  }
0x22: {  	v3 =	vor.u32 v3, v4  }
0x23: {  	v4 =	vperm.xlane v3, v0;
	_ =	sdelay $0x1  }
0x24: {  	v4 =	vadd.s32 v1, v4;
	_ =	sdelay $0x1  }
0x25: {  	v3 =	vperm.xlane v3, v2;
	_ =	sdelay $0x1  }
0x26: {  	v3 =	vadd.s32 v1, v3  }
0x27: {  	[tilespmem:s16], [sflag:$0x1] =	stream.indirect_vreg.gather [hbm4b:s2+s3], $0x80, v4, vm0, $0xb8;
	[tilespmem:$0x1C200] =	vst v63  }
0x28: {  	s0 =	simm.s32 $0xA00  }
0x29: {  	[tilespmem:s0], [sflag:$0x1] =	stream.indirect_vreg.gather [hbm4b:s5+s3], $0x80, v4, vm0, $0xb8;
	[tilespmem:$0x1C200] =	vst v63  }
0x2a: {  	s11 =	simm.s32 $0x1200  }
0x2b: {  	[tilespmem:s11], [sflag:$0x1] =	stream.indirect_vreg.gather [hbm4b:s2+s3], $0x80, v3, vm0, $0xb8;
	[tilespmem:$0x1C200] =	vst v63  }
0x2c: {  	s12 =	simm.s32 $0x1A00  }
0x2d: {  	[tilespmem:s12], [sflag:$0x1] =	stream.indirect_vreg.gather [hbm4b:s5+s3], $0x80, v3, vm0, $0xb8;
	[tilespmem:$0x1C200] =	vst v63  }
0x2e: {  	v3 =	vld [tilespmem:$0x10];
	_ =	sdelay $0x4  }
0x2f: {  	v33 =	vshll.u32 v3, $0x2  }
0x30: {  	v3 =	vand.u32 $0x7, v3;
	v4 =	vand.u32 $0xFFFFFFE0, v33  }
0x31: {  	v3 =	vor.u32 v3, v4  }
0x32: {  	v4 =	vperm.xlane v3, v0;
	_ =	sdelay $0x1  }
0x33: {  	v4 =	vadd.s32 v1, v4;
	_ =	sdelay $0x1  }
0x34: {  	v3 =	vperm.xlane v3, v2;
	_ =	sdelay $0x1  }
0x35: {  	s13 =	simm.s32 $0x2200;
	v3 =	vadd.s32 v1, v3  }
0x36: {  	[tilespmem:s13], [sflag:$0x1] =	stream.indirect_vreg.gather [hbm4b:s2+s3], $0x80, v4, vm0, $0xb8;
	[tilespmem:$0x1C200] =	vst v63  }
0x37: {  	s14 =	simm.s32 $0x2A00  }
0x38: {  	[tilespmem:s14], [sflag:$0x1] =	stream.indirect_vreg.gather [hbm4b:s5+s3], $0x80, v4, vm0, $0xb8;
	[tilespmem:$0x1C200] =	vst v63  }
0x39: {  	s15 =	simm.s32 $0x3200  }
0x3a: {  	[tilespmem:s15], [sflag:$0x1] =	stream.indirect_vreg.gather [hbm4b:s2+s3], $0x80, v3, vm0, $0xb8;
	[tilespmem:$0x1C200] =	vst v63  }
0x3b: {  	s17 =	simm.s32 $0x3A00  }
0x3c: {  	[tilespmem:s17], [sflag:$0x1] =	stream.indirect_vreg.gather [hbm4b:s5+s3], $0x80, v3, vm0, $0xb8;
	[tilespmem:$0x1C200] =	vst v63  }
0x3d: {  	v3 =	vld [tilespmem:$0x20];
	_ =	sdelay $0x4  }
0x3e: {  	v34 =	vshll.u32 v3, $0x2  }
0x3f: {  	v3 =	vand.u32 $0x7, v3;
	v4 =	vand.u32 $0xFFFFFFE0, v34  }
0x40: {  	v3 =	vor.u32 v3, v4  }
0x41: {  	v4 =	vperm.xlane v3, v0;
	_ =	sdelay $0x1  }
0x42: {  	v4 =	vadd.s32 v1, v4;
	_ =	sdelay $0x1  }
0x43: {  	v3 =	vperm.xlane v3, v2;
	_ =	sdelay $0x1  }
0x44: {  	v3 =	vadd.s32 v1, v3  }
0x45: {  	[tilespmem:s26], [sflag:$0x2] =	stream.indirect_vreg.gather [hbm4b:s2+s3], $0x80, v4, vm0, $0xb8;
	[tilespmem:$0x1C200] =	vst v63  }
0x46: {  	s18 =	simm.s32 $0x4A00  }
0x47: {  	[tilespmem:s18], [sflag:$0x2] =	stream.indirect_vreg.gather [hbm4b:s5+s3], $0x80, v4, vm0, $0xb8;
	[tilespmem:$0x1C200] =	vst v63  }
0x48: {  	s19 =	simm.s32 $0x5200  }
0x49: {  	[tilespmem:s19], [sflag:$0x2] =	stream.indirect_vreg.gather [hbm4b:s2+s3], $0x80, v3, vm0, $0xb8;
	[tilespmem:$0x1C200] =	vst v63  }
0x4a: {  	s8 =	simm.s32 $0x5A00  }
0x4b: {  	[tilespmem:s8], [sflag:$0x2] =	stream.indirect_vreg.gather [hbm4b:s5+s3], $0x80, v3, vm0, $0xb8;
	[tilespmem:$0x1C200] =	vst v63  }
0x4c: {  	v3 =	vld [tilespmem:$0x30];
	_ =	sdelay $0x4  }
0x4d: {  	v35 =	vshll.u32 v3, $0x2  }
0x4e: {  	v3 =	vand.u32 $0x7, v3;
	v4 =	vand.u32 $0xFFFFFFE0, v35  }
0x4f: {  	v3 =	vor.u32 v3, v4  }
0x50: {  	v4 =	vperm.xlane v3, v0;
	_ =	sdelay $0x1  }
0x51: {  	v4 =	vadd.s32 v1, v4;
	_ =	sdelay $0x1  }
0x52: {  	v3 =	vperm.xlane v3, v2;
	_ =	sdelay $0x1  }
0x53: {  	s9 =	simm.s32 $0x6200;
	v3 =	vadd.s32 v1, v3  }
0x54: {  	[tilespmem:s9], [sflag:$0x2] =	stream.indirect_vreg.gather [hbm4b:s2+s3], $0x80, v4, vm0, $0xb8;
	[tilespmem:$0x1C200] =	vst v63  }
0x55: {  	s11 =	simm.s32 $0x6A00  }
0x56: {  	[tilespmem:s11], [sflag:$0x2] =	stream.indirect_vreg.gather [hbm4b:s5+s3], $0x80, v4, vm0, $0xb8;
	[tilespmem:$0x1C200] =	vst v63  }
0x57: {  	s12 =	simm.s32 $0x7200  }
0x58: {  	[tilespmem:s12], [sflag:$0x2] =	stream.indirect_vreg.gather [hbm4b:s2+s3], $0x80, v3, vm0, $0xb8;
	[tilespmem:$0x1C200] =	vst v63  }
0x59: {  	s13 =	simm.s32 $0x7A00  }
0x5a: {  	[tilespmem:s13], [sflag:$0x2] =	stream.indirect_vreg.gather [hbm4b:s5+s3], $0x80, v3, vm0, $0xb8;
	[tilespmem:$0x1C200] =	vst v63  }
0x5b: {  	v3 =	vld [tilespmem:$0x40];
	_ =	sdelay $0x4  }
0x5c: {  	v36 =	vshll.u32 v3, $0x2  }
0x5d: {  	v3 =	vand.u32 $0x7, v3;
	v4 =	vand.u32 $0xFFFFFFE0, v36  }
0x5e: {  	v3 =	vor.u32 v3, v4  }
0x5f: {  	v4 =	vperm.xlane v3, v0;
	_ =	sdelay $0x1  }
0x60: {  	v4 =	vadd.s32 v1, v4;
	_ =	sdelay $0x1  }
0x61: {  	v3 =	vperm.xlane v3, v2;
	_ =	sdelay $0x1  }
0x62: {  	s14 =	simm.s32 $0x8200;
	v3 =	vadd.s32 v1, v3  }
0x63: {  	[tilespmem:s14], [sflag:$0x3] =	stream.indirect_vreg.gather [hbm4b:s2+s3], $0x80, v4, vm0, $0xb8;
	[tilespmem:$0x1C200] =	vst v63  }
0x64: {  	s8 =	simm.s32 $0x8A00  }
0x65: {  	[tilespmem:s8], [sflag:$0x3] =	stream.indirect_vreg.gather [hbm4b:s5+s3], $0x80, v4, vm0, $0xb8;
	[tilespmem:$0x1C200] =	vst v63  }
0x66: {  	_ = 	snop  }
0x67: {  	[tilespmem:s25], [sflag:$0x3] =	stream.indirect_vreg.gather [hbm4b:s2+s3], $0x80, v3, vm0, $0xb8;
	[tilespmem:$0x1C200] =	vst v63  }
0x68: {  	_ = 	snop  }
0x69: {  	[tilespmem:s28], [sflag:$0x3] =	stream.indirect_vreg.gather [hbm4b:s5+s3], $0x80, v3, vm0, $0xb8;
	[tilespmem:$0x1C200] =	vst v63  }
0x6a: {  	v3 =	vld [tilespmem:$0x50];
	_ =	sdelay $0x4  }
0x6b: {  	v37 =	vshll.u32 v3, $0x2  }
0x6c: {  	v3 =	vand.u32 $0x7, v3;
	v4 =	vand.u32 $0xFFFFFFE0, v37  }
0x6d: {  	v3 =	vor.u32 v3, v4  }
0x6e: {  	v4 =	vperm.xlane v3, v0;
	_ =	sdelay $0x1  }
0x6f: {  	v4 =	vadd.s32 v1, v4;
	_ =	sdelay $0x1  }
0x70: {  	v3 =	vperm.xlane v3, v2;
	_ =	sdelay $0x1  }
0x71: {  	s9 =	simm.s32 $0xA200;
	v3 =	vadd.s32 v1, v3  }
0x72: {  	[tilespmem:s9], [sflag:$0x3] =	stream.indirect_vreg.gather [hbm4b:s2+s3], $0x80, v4, vm0, $0xb8;
	[tilespmem:$0x1C200] =	vst v63  }
0x73: {  	s19 =	simm.s32 $0xAA00  }
0x74: {  	[tilespmem:s19], [sflag:$0x3] =	stream.indirect_vreg.gather [hbm4b:s5+s3], $0x80, v4, vm0, $0xb8;
	[tilespmem:$0x1C200] =	vst v63  }
0x75: {  	_ = 	snop  }
0x76: {  	[tilespmem:s20], [sflag:$0x3] =	stream.indirect_vreg.gather [hbm4b:s2+s3], $0x80, v3, vm0, $0xb8;
	[tilespmem:$0x1C200] =	vst v63  }
0x77: {  	_ = 	snop  }
0x78: {  	[tilespmem:s21], [sflag:$0x3] =	stream.indirect_vreg.gather [hbm4b:s5+s3], $0x80, v3, vm0, $0xb8;
	[tilespmem:$0x1C200] =	vst v63  }
0x79: {  	v3 =	vld [tilespmem:$0x60];
	_ =	sdelay $0x4  }
0x7a: {  	v38 =	vshll.u32 v3, $0x2  }
0x7b: {  	v3 =	vand.u32 $0x7, v3;
	v4 =	vand.u32 $0xFFFFFFE0, v38  }
0x7c: {  	v3 =	vor.u32 v3, v4  }
0x7d: {  	v4 =	vperm.xlane v3, v0;
	_ =	sdelay $0x1  }
0x7e: {  	v4 =	vadd.s32 v1, v4;
	_ =	sdelay $0x1  }
0x7f: {  	v3 =	vperm.xlane v3, v2;
	_ =	sdelay $0x1  }
0x80: {  	s15 =	simm.s32 $0xC200;
	v3 =	vadd.s32 v1, v3  }
0x81: {  	[tilespmem:s15], [sflag:$0x4] =	stream.indirect_vreg.gather [hbm4b:s2+s3], $0x80, v4, vm0, $0xb8;
	[tilespmem:$0x1C200] =	vst v63  }
0x82: {  	s17 =	simm.s32 $0xCA00  }
0x83: {  	[tilespmem:s17], [sflag:$0x4] =	stream.indirect_vreg.gather [hbm4b:s5+s3], $0x80, v4, vm0, $0xb8;
	[tilespmem:$0x1C200] =	vst v63  }
0x84: {  	_ = 	snop  }
0x85: {  	[tilespmem:s24], [sflag:$0x4] =	stream.indirect_vreg.gather [hbm4b:s2+s3], $0x80, v3, vm0, $0xb8;
	[tilespmem:$0x1C200] =	vst v63  }
0x86: {  	s13 =	simm.s32 $0xDA00  }
0x87: {  	[tilespmem:s13], [sflag:$0x4] =	stream.indirect_vreg.gather [hbm4b:s5+s3], $0x80, v3, vm0, $0xb8;
	[tilespmem:$0x1C200] =	vst v63  }
0x88: {  	v3 =	vld [tilespmem:$0x70];
	_ =	sdelay $0x4  }
0x89: {  	v39 =	vshll.u32 v3, $0x2  }
0x8a: {  	v3 =	vand.u32 $0x7, v3;
	v4 =	vand.u32 $0xFFFFFFE0, v39  }
0x8b: {  	v3 =	vor.u32 v3, v4  }
0x8c: {  	v4 =	vperm.xlane v3, v0;
	_ =	sdelay $0x1  }
0x8d: {  	v4 =	vadd.s32 v1, v4;
	_ =	sdelay $0x1  }
0x8e: {  	v3 =	vperm.xlane v3, v2;
	_ =	sdelay $0x1  }
0x8f: {  	s14 =	simm.s32 $0xE200;
	v3 =	vadd.s32 v1, v3  }
0x90: {  	[tilespmem:s14], [sflag:$0x4] =	stream.indirect_vreg.gather [hbm4b:s2+s3], $0x80, v4, vm0, $0xb8;
	[tilespmem:$0x1C200] =	vst v63  }
0x91: {  	s15 =	simm.s32 $0xEA00  }
0x92: {  	[tilespmem:s15], [sflag:$0x4] =	stream.indirect_vreg.gather [hbm4b:s5+s3], $0x80, v4, vm0, $0xb8;
	[tilespmem:$0x1C200] =	vst v63  }
0x93: {  	s11 =	simm.s32 $0xF200  }
0x94: {  	[tilespmem:s11], [sflag:$0x4] =	stream.indirect_vreg.gather [hbm4b:s2+s3], $0x80, v3, vm0, $0xb8;
	[tilespmem:$0x1C200] =	vst v63  }
0x95: {  	s12 =	simm.s32 $0xFA00  }
0x96: {  	[tilespmem:s12], [sflag:$0x4] =	stream.indirect_vreg.gather [hbm4b:s5+s3], $0x80, v3, vm0, $0xb8;
	[tilespmem:$0x1C200] =	vst v63  }
0x97: {  	v3 =	vld [tilespmem:$0x80];
	_ =	sdelay $0x4  }
0x98: {  	v40 =	vshll.u32 v3, $0x2  }
0x99: {  	v3 =	vand.u32 $0x7, v3;
	v4 =	vand.u32 $0xFFFFFFE0, v40  }
0x9a: {  	v3 =	vor.u32 v3, v4  }
0x9b: {  	v4 =	vperm.xlane v3, v0;
	_ =	sdelay $0x1  }
0x9c: {  	v4 =	vadd.s32 v1, v4;
	_ =	sdelay $0x1  }
0x9d: {  	v3 =	vperm.xlane v3, v2;
	_ =	sdelay $0x1  }
0x9e: {  	s18 =	simm.s32 $0x10200;
	v3 =	vadd.s32 v1, v3  }
0x9f: {  	[tilespmem:s18], [sflag:$0x5] =	stream.indirect_vreg.gather [hbm4b:s2+s3], $0x80, v4, vm0, $0xb8;
	[tilespmem:$0x1C200] =	vst v63  }
0xa0: {  	s17 =	simm.s32 $0x10A00  }
0xa1: {  	[tilespmem:s17], [sflag:$0x5] =	stream.indirect_vreg.gather [hbm4b:s5+s3], $0x80, v4, vm0, $0xb8;
	[tilespmem:$0x1C200] =	vst v63  }
0xa2: {  	s18 =	simm.s32 $0x11200  }
0xa3: {  	[tilespmem:s18], [sflag:$0x5] =	stream.indirect_vreg.gather [hbm4b:s2+s3], $0x80, v3, vm0, $0xb8;
	[tilespmem:$0x1C200] =	vst v63  }
0xa4: {  	s17 =	simm.s32 $0x11A00  }
0xa5: {  	[tilespmem:s17], [sflag:$0x5] =	stream.indirect_vreg.gather [hbm4b:s5+s3], $0x80, v3, vm0, $0xb8;
	[tilespmem:$0x1C200] =	vst v63  }
0xa6: {  	v3 =	vld [tilespmem:$0x90];
	_ =	sdelay $0x4  }
0xa7: {  	v41 =	vshll.u32 v3, $0x2  }
0xa8: {  	v3 =	vand.u32 $0x7, v3;
	v4 =	vand.u32 $0xFFFFFFE0, v41  }
0xa9: {  	v3 =	vor.u32 v3, v4  }
0xaa: {  	v4 =	vperm.xlane v3, v0;
	_ =	sdelay $0x1  }
0xab: {  	v4 =	vadd.s32 v1, v4;
	_ =	sdelay $0x1  }
0xac: {  	v3 =	vperm.xlane v3, v2;
	_ =	sdelay $0x1  }
0xad: {  	s18 =	simm.s32 $0x12200;
	v3 =	vadd.s32 v1, v3  }
0xae: {  	[tilespmem:s18], [sflag:$0x5] =	stream.indirect_vreg.gather [hbm4b:s2+s3], $0x80, v4, vm0, $0xb8;
	[tilespmem:$0x1C200] =	vst v63  }
0xaf: {  	s17 =	simm.s32 $0x12A00  }
0xb0: {  	[tilespmem:s17], [sflag:$0x5] =	stream.indirect_vreg.gather [hbm4b:s5+s3], $0x80, v4, vm0, $0xb8;
	[tilespmem:$0x1C200] =	vst v63  }
0xb1: {  	s18 =	simm.s32 $0x13200  }
0xb2: {  	[tilespmem:s18], [sflag:$0x5] =	stream.indirect_vreg.gather [hbm4b:s2+s3], $0x80, v3, vm0, $0xb8;
	[tilespmem:$0x1C200] =	vst v63  }
0xb3: {  	s17 =	simm.s32 $0x13A00  }
0xb4: {  	[tilespmem:s17], [sflag:$0x5] =	stream.indirect_vreg.gather [hbm4b:s5+s3], $0x80, v3, vm0, $0xb8;
	[tilespmem:$0x1C200] =	vst v63  }
0xb5: {  	v3 =	vld [tilespmem:$0xA0];
	_ =	sdelay $0x4  }
0xb6: {  	v42 =	vshll.u32 v3, $0x2  }
0xb7: {  	v3 =	vand.u32 $0x7, v3;
	v4 =	vand.u32 $0xFFFFFFE0, v42  }
0xb8: {  	v3 =	vor.u32 v3, v4  }
0xb9: {  	v4 =	vperm.xlane v3, v0;
	_ =	sdelay $0x1  }
0xba: {  	v4 =	vadd.s32 v1, v4;
	_ =	sdelay $0x1  }
0xbb: {  	v3 =	vperm.xlane v3, v2;
	_ =	sdelay $0x1  }
0xbc: {  	v3 =	vadd.s32 v1, v3  }
0xbd: {  	[tilespmem:s10], [sflag:$0x6] =	stream.indirect_vreg.gather [hbm4b:s2+s3], $0x80, v4, vm0, $0xb8;
	[tilespmem:$0x1C200] =	vst v63  }
0xbe: {  	s18 =	simm.s32 $0x14A00  }
0xbf: {  	[tilespmem:s18], [sflag:$0x6] =	stream.indirect_vreg.gather [hbm4b:s5+s3], $0x80, v4, vm0, $0xb8;
	[tilespmem:$0x1C200] =	vst v63  }
0xc0: {  	s17 =	simm.s32 $0x15200  }
0xc1: {  	[tilespmem:s17], [sflag:$0x6] =	stream.indirect_vreg.gather [hbm4b:s2+s3], $0x80, v3, vm0, $0xb8;
	[tilespmem:$0x1C200] =	vst v63  }
0xc2: {  	s18 =	simm.s32 $0x15A00  }
0xc3: {  	[tilespmem:s18], [sflag:$0x6] =	stream.indirect_vreg.gather [hbm4b:s5+s3], $0x80, v3, vm0, $0xb8;
	[tilespmem:$0x1C200] =	vst v63  }
0xc4: {  	v3 =	vld [tilespmem:$0xB0];
	_ =	sdelay $0x4  }
0xc5: {  	v43 =	vshll.u32 v3, $0x2  }
0xc6: {  	v3 =	vand.u32 $0x7, v3;
	v4 =	vand.u32 $0xFFFFFFE0, v43  }
0xc7: {  	v3 =	vor.u32 v3, v4  }
0xc8: {  	v4 =	vperm.xlane v3, v0;
	_ =	sdelay $0x1  }
0xc9: {  	v4 =	vadd.s32 v1, v4;
	_ =	sdelay $0x1  }
0xca: {  	v3 =	vperm.xlane v3, v2;
	_ =	sdelay $0x1  }
0xcb: {  	s17 =	simm.s32 $0x16200;
	v3 =	vadd.s32 v1, v3  }
0xcc: {  	[tilespmem:s17], [sflag:$0x6] =	stream.indirect_vreg.gather [hbm4b:s2+s3], $0x80, v4, vm0, $0xb8;
	[tilespmem:$0x1C200] =	vst v63  }
0xcd: {  	s18 =	simm.s32 $0x16A00  }
0xce: {  	[tilespmem:s18], [sflag:$0x6] =	stream.indirect_vreg.gather [hbm4b:s5+s3], $0x80, v4, vm0, $0xb8;
	[tilespmem:$0x1C200] =	vst v63  }
0xcf: {  	s17 =	simm.s32 $0x17200  }
0xd0: {  	[tilespmem:s17], [sflag:$0x6] =	stream.indirect_vreg.gather [hbm4b:s2+s3], $0x80, v3, vm0, $0xb8;
	[tilespmem:$0x1C200] =	vst v63  }
0xd1: {  	s18 =	simm.s32 $0x17A00  }
0xd2: {  	[tilespmem:s18], [sflag:$0x6] =	stream.indirect_vreg.gather [hbm4b:s5+s3], $0x80, v3, vm0, $0xb8;
	[tilespmem:$0x1C200] =	vst v63  }
0xd3: {  	_ =	swait.ge [sflag:s23], $0x4000  }
0xd4: {  	[sflag:s23] =	ssyncset.done $0x0  }
0xd5: {  	s17 =	rddreg [dreg:$0x14];
	[sflag:s23] =	ssyncadd.s32 $0xFFFFC000  }
0xd6: {  	[hbm4b:s17+s3] =	stream.linear.scatter [tilespmem:s16], [sflag:$0x8], $0x4000, $0x38;
	[tilespmem:$0x1C200] =	vst v63  }
0xd7: {  	v3 =	vld [tilespmem:$0xC0];
	_ =	sdelay $0x4  }
0xd8: {  	v44 =	vshll.u32 v3, $0x2  }
0xd9: {  	v3 =	vand.u32 $0x7, v3;
	v4 =	vand.u32 $0xFFFFFFE0, v44  }
0xda: {  	v3 =	vor.u32 v3, v4  }
0xdb: {  	v4 =	vperm.xlane v3, v0;
	_ =	sdelay $0x1  }
0xdc: {  	v4 =	vadd.s32 v1, v4;
	_ =	sdelay $0x1  }
0xdd: {  	v3 =	vperm.xlane v3, v2;
	_ =	sdelay $0x1  }
0xde: {  	v3 =	vadd.s32 v1, v3  }
0xdf: {  	[tilespmem:s7], [sflag:$0x7] =	stream.indirect_vreg.gather [hbm4b:s2+s3], $0x80, v4, vm0, $0xb8;
	[tilespmem:$0x1C200] =	vst v63  }
0xe0: {  	s18 =	simm.s32 $0x18A00  }
0xe1: {  	[tilespmem:s18], [sflag:$0x7] =	stream.indirect_vreg.gather [hbm4b:s5+s3], $0x80, v4, vm0, $0xb8;
	[tilespmem:$0x1C200] =	vst v63  }
0xe2: {  	s17 =	simm.s32 $0x19200  }
0xe3: {  	[tilespmem:s17], [sflag:$0x7] =	stream.indirect_vreg.gather [hbm4b:s2+s3], $0x80, v3, vm0, $0xb8;
	[tilespmem:$0x1C200] =	vst v63  }
0xe4: {  	s18 =	simm.s32 $0x19A00  }
0xe5: {  	[tilespmem:s18], [sflag:$0x7] =	stream.indirect_vreg.gather [hbm4b:s5+s3], $0x80, v3, vm0, $0xb8;
	[tilespmem:$0x1C200] =	vst v63  }
0xe6: {  	v3 =	vld [tilespmem:$0xD0];
	_ =	sdelay $0x4  }
0xe7: {  	v45 =	vshll.u32 v3, $0x2  }
0xe8: {  	v3 =	vand.u32 $0x7, v3;
	v4 =	vand.u32 $0xFFFFFFE0, v45  }
0xe9: {  	v3 =	vor.u32 v3, v4  }
0xea: {  	v4 =	vperm.xlane v3, v0;
	_ =	sdelay $0x1  }
0xeb: {  	v4 =	vadd.s32 v1, v4;
	_ =	sdelay $0x1  }
0xec: {  	v3 =	vperm.xlane v3, v2;
	_ =	sdelay $0x1  }
0xed: {  	s17 =	simm.s32 $0x1A200;
	v3 =	vadd.s32 v1, v3  }
0xee: {  	[tilespmem:s17], [sflag:$0x7] =	stream.indirect_vreg.gather [hbm4b:s2+s3], $0x80, v4, vm0, $0xb8;
	[tilespmem:$0x1C200] =	vst v63  }
0xef: {  	s18 =	simm.s32 $0x1AA00  }
0xf0: {  	[tilespmem:s18], [sflag:$0x7] =	stream.indirect_vreg.gather [hbm4b:s5+s3], $0x80, v4, vm0, $0xb8;
	[tilespmem:$0x1C200] =	vst v63  }
0xf1: {  	s17 =	simm.s32 $0x1B200  }
0xf2: {  	[tilespmem:s17], [sflag:$0x7] =	stream.indirect_vreg.gather [hbm4b:s2+s3], $0x80, v3, vm0, $0xb8;
	[tilespmem:$0x1C200] =	vst v63  }
0xf3: {  	s18 =	simm.s32 $0x1BA00  }
0xf4: {  	[tilespmem:s18], [sflag:$0x7] =	stream.indirect_vreg.gather [hbm4b:s5+s3], $0x80, v3, vm0, $0xb8;
	[tilespmem:$0x1C200] =	vst v63  }
0xf5: {  	_ =	swait.ge [sflag:s29], $0x4000  }
0xf6: {  	[sflag:s29] =	ssyncset.done $0x0  }
0xf7: {  	s0 =	rddreg [dreg:$0x5];
	[sflag:s29] =	ssyncadd.s32 $0xFFFFC000  }
0xf8: {  	[hbm4b:s0+s3] =	stream.linear.scatter [tilespmem:s26], [sflag:$0x9], $0x4000, $0x38;
	[tilespmem:$0x1C200] =	vst v63  }
0xf9: {  	_ =	swait.ge [sflag:s30], $0x4000  }
0xfa: {  	[sflag:s30] =	ssyncset.done $0x0  }
0xfb: {  	[sflag:s30] =	ssyncadd.s32 $0xFFFFC000  }
0xfc: {  	v3 =	vld [tilespmem:$0xE0];
	_ =	sdelay $0x4  }
0xfd: {  	v46 =	vshll.u32 v3, $0x2  }
0xfe: {  	v3 =	vand.u32 $0x7, v3;
	v4 =	vand.u32 $0xFFFFFFE0, v46  }
0xff: {  	v3 =	vor.u32 v3, v4  }
0x100: {  	v4 =	vperm.xlane v3, v0;
	_ =	sdelay $0x1  }
0x101: {  	v4 =	vadd.s32 v1, v4;
	_ =	sdelay $0x1  }
0x102: {  	v3 =	vperm.xlane v3, v2;
	_ =	sdelay $0x1  }
0x103: {  	v3 =	vadd.s32 v1, v3  }
0x104: {  	[tilespmem:s16], [sflag:$0x1] =	stream.indirect_vreg.gather [hbm4b:s2+s3], $0x80, v4, vm0, $0xb8;
	[tilespmem:$0x1C200] =	vst v63  }
0x105: {  	s17 =	simm.s32 $0xA00  }
0x106: {  	[tilespmem:s17], [sflag:$0x1] =	stream.indirect_vreg.gather [hbm4b:s5+s3], $0x80, v4, vm0, $0xb8;
	[tilespmem:$0x1C200] =	vst v63  }
0x107: {  	s18 =	simm.s32 $0x1200  }
0x108: {  	[tilespmem:s18], [sflag:$0x1] =	stream.indirect_vreg.gather [hbm4b:s2+s3], $0x80, v3, vm0, $0xb8;
	[tilespmem:$0x1C200] =	vst v63  }
0x109: {  	s1 =	simm.s32 $0x1A00  }
0x10a: {  	[tilespmem:s1], [sflag:$0x1] =	stream.indirect_vreg.gather [hbm4b:s5+s3], $0x80, v3, vm0, $0xb8;
	[tilespmem:$0x1C200] =	vst v63  }
0x10b: {  	v3 =	vld [tilespmem:$0xF0];
	_ =	sdelay $0x4  }
0x10c: {  	v47 =	vshll.u32 v3, $0x2  }
0x10d: {  	v3 =	vand.u32 $0x7, v3;
	v4 =	vand.u32 $0xFFFFFFE0, v47  }
0x10e: {  	v3 =	vor.u32 v3, v4  }
0x10f: {  	v4 =	vperm.xlane v3, v0;
	_ =	sdelay $0x1  }
0x110: {  	v4 =	vadd.s32 v1, v4;
	_ =	sdelay $0x1  }
0x111: {  	v3 =	vperm.xlane v3, v2;
	_ =	sdelay $0x1  }
0x112: {  	s1 =	simm.s32 $0x2200;
	v3 =	vadd.s32 v1, v3  }
0x113: {  	[tilespmem:s1], [sflag:$0x1] =	stream.indirect_vreg.gather [hbm4b:s2+s3], $0x80, v4, vm0, $0xb8;
	[tilespmem:$0x1C200] =	vst v63  }
0x114: {  	s17 =	simm.s32 $0x2A00  }
0x115: {  	[tilespmem:s17], [sflag:$0x1] =	stream.indirect_vreg.gather [hbm4b:s5+s3], $0x80, v4, vm0, $0xb8;
	[tilespmem:$0x1C200] =	vst v63  }
0x116: {  	s18 =	simm.s32 $0x3200  }
0x117: {  	[tilespmem:s18], [sflag:$0x1] =	stream.indirect_vreg.gather [hbm4b:s2+s3], $0x80, v3, vm0, $0xb8;
	[tilespmem:$0x1C200] =	vst v63  }
0x118: {  	s31 =	simm.s32 $0x3A00;
	s0 =	simm.s32 $0x3  }
0x119: {  	[tilespmem:s31], [sflag:$0x1] =	stream.indirect_vreg.gather [hbm4b:s5+s3], $0x80, v3, vm0, $0xb8;
	[tilespmem:$0x1C200] =	vst v63  }
0x11a: {  	_ =	swait.ge [sflag:s0], $0x4000  }
0x11b: {  	[sflag:s0] =	ssyncset.done $0x0  }
0x11c: {  	s17 =	simm.s32 $0x8200;
	s1 =	rddreg [dreg:$0x6];
	[sflag:s0] =	ssyncadd.s32 $0xFFFFC000  }
0x11d: {  	[hbm4b:s1+s3] =	stream.linear.scatter [tilespmem:s17], [sflag:$0xA], $0x4000, $0x38;
	[tilespmem:$0x1C200] =	vst v63  }
0x11e: {  	_ =	swait.ge [sflag:s4], $0x4000  }
0x11f: {  	[sflag:s4] =	ssyncset.done $0x0  }
0x120: {  	[sflag:s4] =	ssyncadd.s32 $0xFFFFC000  }
0x121: {  	v3 =	vld [tilespmem:$0x100];
	_ =	sdelay $0x4  }
0x122: {  	v48 =	vshll.u32 v3, $0x2  }
0x123: {  	v3 =	vand.u32 $0x7, v3;
	v4 =	vand.u32 $0xFFFFFFE0, v48  }
0x124: {  	v3 =	vor.u32 v3, v4  }
0x125: {  	v4 =	vperm.xlane v3, v0;
	_ =	sdelay $0x1  }
0x126: {  	v4 =	vadd.s32 v1, v4;
	_ =	sdelay $0x1  }
0x127: {  	v3 =	vperm.xlane v3, v2;
	_ =	sdelay $0x1  }
0x128: {  	v3 =	vadd.s32 v1, v3  }
0x129: {  	[tilespmem:s26], [sflag:$0x2] =	stream.indirect_vreg.gather [hbm4b:s2+s3], $0x80, v4, vm0, $0xb8;
	[tilespmem:$0x1C200] =	vst v63  }
0x12a: {  	s31 =	simm.s32 $0x4A00  }
0x12b: {  	[tilespmem:s31], [sflag:$0x2] =	stream.indirect_vreg.gather [hbm4b:s5+s3], $0x80, v4, vm0, $0xb8;
	[tilespmem:$0x1C200] =	vst v63  }
0x12c: {  	s1 =	simm.s32 $0x5200  }
0x12d: {  	[tilespmem:s1], [sflag:$0x2] =	stream.indirect_vreg.gather [hbm4b:s2+s3], $0x80, v3, vm0, $0xb8;
	[tilespmem:$0x1C200] =	vst v63  }
0x12e: {  	s18 =	simm.s32 $0x5A00  }
0x12f: {  	[tilespmem:s18], [sflag:$0x2] =	stream.indirect_vreg.gather [hbm4b:s5+s3], $0x80, v3, vm0, $0xb8;
	[tilespmem:$0x1C200] =	vst v63  }
0x130: {  	v3 =	vld [tilespmem:$0x110];
	_ =	sdelay $0x4  }
0x131: {  	v49 =	vshll.u32 v3, $0x2  }
0x132: {  	v3 =	vand.u32 $0x7, v3;
	v4 =	vand.u32 $0xFFFFFFE0, v49  }
0x133: {  	v3 =	vor.u32 v3, v4  }
0x134: {  	v4 =	vperm.xlane v3, v0;
	_ =	sdelay $0x1  }
0x135: {  	v4 =	vadd.s32 v1, v4;
	_ =	sdelay $0x1  }
0x136: {  	v3 =	vperm.xlane v3, v2;
	_ =	sdelay $0x1  }
0x137: {  	s31 =	simm.s32 $0x6200;
	v3 =	vadd.s32 v1, v3  }
0x138: {  	[tilespmem:s31], [sflag:$0x2] =	stream.indirect_vreg.gather [hbm4b:s2+s3], $0x80, v4, vm0, $0xb8;
	[tilespmem:$0x1C200] =	vst v63  }
0x139: {  	s18 =	simm.s32 $0x6A00  }
0x13a: {  	[tilespmem:s18], [sflag:$0x2] =	stream.indirect_vreg.gather [hbm4b:s5+s3], $0x80, v4, vm0, $0xb8;
	[tilespmem:$0x1C200] =	vst v63  }
0x13b: {  	s31 =	simm.s32 $0x7200  }
0x13c: {  	[tilespmem:s31], [sflag:$0x2] =	stream.indirect_vreg.gather [hbm4b:s2+s3], $0x80, v3, vm0, $0xb8;
	[tilespmem:$0x1C200] =	vst v63  }
0x13d: {  	s1 =	simm.s32 $0x4;
	s18 =	simm.s32 $0x7A00  }
0x13e: {  	[tilespmem:s18], [sflag:$0x2] =	stream.indirect_vreg.gather [hbm4b:s5+s3], $0x80, v3, vm0, $0xb8;
	[tilespmem:$0x1C200] =	vst v63  }
0x13f: {  	_ =	swait.ge [sflag:s1], $0x4000  }
0x140: {  	[sflag:s1] =	ssyncset.done $0x0  }
0x141: {  	s31 =	rddreg [dreg:$0x7];
	[sflag:s1] =	ssyncadd.s32 $0xFFFFC000  }
0x142: {  	[hbm4b:s31+s3] =	stream.linear.scatter [tilespmem:s22], [sflag:$0xB], $0x4000, $0x38;
	[tilespmem:$0x1C200] =	vst v63  }
0x143: {  	s31 =	simm.s32 $0xA  }
0x144: {  	_ =	swait.ge [sflag:s31], $0x4000  }
0x145: {  	[sflag:s31] =	ssyncset.done $0x0  }
0x146: {  	[sflag:s31] =	ssyncadd.s32 $0xFFFFC000  }
0x147: {  	v3 =	vld [tilespmem:$0x120];
	_ =	sdelay $0x4  }
0x148: {  	v50 =	vshll.u32 v3, $0x2  }
0x149: {  	v3 =	vand.u32 $0x7, v3;
	v4 =	vand.u32 $0xFFFFFFE0, v50  }
0x14a: {  	v3 =	vor.u32 v3, v4  }
0x14b: {  	v4 =	vperm.xlane v3, v0;
	_ =	sdelay $0x1  }
0x14c: {  	v4 =	vadd.s32 v1, v4;
	_ =	sdelay $0x1  }
0x14d: {  	v3 =	vperm.xlane v3, v2;
	_ =	sdelay $0x1  }
0x14e: {  	v3 =	vadd.s32 v1, v3  }
0x14f: {  	[tilespmem:s17], [sflag:$0x3] =	stream.indirect_vreg.gather [hbm4b:s2+s3], $0x80, v4, vm0, $0xb8;
	[tilespmem:$0x1C200] =	vst v63  }
0x150: {  	_ = 	snop  }
0x151: {  	[tilespmem:s8], [sflag:$0x3] =	stream.indirect_vreg.gather [hbm4b:s5+s3], $0x80, v4, vm0, $0xb8;
	[tilespmem:$0x1C200] =	vst v63  }
0x152: {  	_ = 	snop  }
0x153: {  	[tilespmem:s25], [sflag:$0x3] =	stream.indirect_vreg.gather [hbm4b:s2+s3], $0x80, v3, vm0, $0xb8;
	[tilespmem:$0x1C200] =	vst v63  }
0x154: {  	_ = 	snop  }
0x155: {  	[tilespmem:s28], [sflag:$0x3] =	stream.indirect_vreg.gather [hbm4b:s5+s3], $0x80, v3, vm0, $0xb8;
	[tilespmem:$0x1C200] =	vst v63  }
0x156: {  	v3 =	vld [tilespmem:$0x130];
	_ =	sdelay $0x4  }
0x157: {  	v51 =	vshll.u32 v3, $0x2  }
0x158: {  	v3 =	vand.u32 $0x7, v3;
	v4 =	vand.u32 $0xFFFFFFE0, v51  }
0x159: {  	v3 =	vor.u32 v3, v4  }
0x15a: {  	v4 =	vperm.xlane v3, v0;
	_ =	sdelay $0x1  }
0x15b: {  	v4 =	vadd.s32 v1, v4;
	_ =	sdelay $0x1  }
0x15c: {  	v3 =	vperm.xlane v3, v2;
	_ =	sdelay $0x1  }
0x15d: {  	v3 =	vadd.s32 v1, v3  }
0x15e: {  	[tilespmem:s9], [sflag:$0x3] =	stream.indirect_vreg.gather [hbm4b:s2+s3], $0x80, v4, vm0, $0xb8;
	[tilespmem:$0x1C200] =	vst v63  }
0x15f: {  	_ = 	snop  }
0x160: {  	[tilespmem:s19], [sflag:$0x3] =	stream.indirect_vreg.gather [hbm4b:s5+s3], $0x80, v4, vm0, $0xb8;
	[tilespmem:$0x1C200] =	vst v63  }
0x161: {  	_ = 	snop  }
0x162: {  	[tilespmem:s20], [sflag:$0x3] =	stream.indirect_vreg.gather [hbm4b:s2+s3], $0x80, v3, vm0, $0xb8;
	[tilespmem:$0x1C200] =	vst v63  }
0x163: {  	s8 =	simm.s32 $0x5  }
0x164: {  	[tilespmem:s21], [sflag:$0x3] =	stream.indirect_vreg.gather [hbm4b:s5+s3], $0x80, v3, vm0, $0xb8;
	[tilespmem:$0x1C200] =	vst v63  }
0x165: {  	_ =	swait.ge [sflag:s8], $0x4000  }
0x166: {  	[sflag:s8] =	ssyncset.done $0x0  }
0x167: {  	s17 =	simm.s32 $0x10200;
	s9 =	rddreg [dreg:$0x8];
	[sflag:s8] =	ssyncadd.s32 $0xFFFFC000  }
0x168: {  	[hbm4b:s9+s3] =	stream.linear.scatter [tilespmem:s17], [sflag:$0xC], $0x4000, $0x38;
	[tilespmem:$0x1C200] =	vst v63  }
0x169: {  	s9 =	simm.s32 $0xB  }
0x16a: {  	_ =	swait.ge [sflag:s9], $0x4000  }
0x16b: {  	[sflag:s9] =	ssyncset.done $0x0  }
0x16c: {  	[sflag:s9] =	ssyncadd.s32 $0xFFFFC000  }
0x16d: {  	v3 =	vld [tilespmem:$0x140];
	_ =	sdelay $0x4  }
0x16e: {  	v52 =	vshll.u32 v3, $0x2  }
0x16f: {  	v3 =	vand.u32 $0x7, v3;
	v4 =	vand.u32 $0xFFFFFFE0, v52  }
0x170: {  	v3 =	vor.u32 v3, v4  }
0x171: {  	v4 =	vperm.xlane v3, v0;
	_ =	sdelay $0x1  }
0x172: {  	v4 =	vadd.s32 v1, v4;
	_ =	sdelay $0x1  }
0x173: {  	v3 =	vperm.xlane v3, v2;
	_ =	sdelay $0x1  }
0x174: {  	v3 =	vadd.s32 v1, v3  }
0x175: {  	[tilespmem:s22], [sflag:$0x4] =	stream.indirect_vreg.gather [hbm4b:s2+s3], $0x80, v4, vm0, $0xb8;
	[tilespmem:$0x1C200] =	vst v63  }
0x176: {  	s18 =	simm.s32 $0xCA00  }
0x177: {  	[tilespmem:s18], [sflag:$0x4] =	stream.indirect_vreg.gather [hbm4b:s5+s3], $0x80, v4, vm0, $0xb8;
	[tilespmem:$0x1C200] =	vst v63  }
0x178: {  	_ = 	snop  }
0x179: {  	[tilespmem:s24], [sflag:$0x4] =	stream.indirect_vreg.gather [hbm4b:s2+s3], $0x80, v3, vm0, $0xb8;
	[tilespmem:$0x1C200] =	vst v63  }
0x17a: {  	_ = 	snop  }
0x17b: {  	[tilespmem:s13], [sflag:$0x4] =	stream.indirect_vreg.gather [hbm4b:s5+s3], $0x80, v3, vm0, $0xb8;
	[tilespmem:$0x1C200] =	vst v63  }
0x17c: {  	v3 =	vld [tilespmem:$0x150];
	_ =	sdelay $0x4  }
0x17d: {  	v53 =	vshll.u32 v3, $0x2  }
0x17e: {  	v3 =	vand.u32 $0x7, v3;
	v4 =	vand.u32 $0xFFFFFFE0, v53  }
0x17f: {  	v3 =	vor.u32 v3, v4  }
0x180: {  	v4 =	vperm.xlane v3, v0;
	_ =	sdelay $0x1  }
0x181: {  	v4 =	vadd.s32 v1, v4;
	_ =	sdelay $0x1  }
0x182: {  	v3 =	vperm.xlane v3, v2;
	_ =	sdelay $0x1  }
0x183: {  	v3 =	vadd.s32 v1, v3  }
0x184: {  	[tilespmem:s14], [sflag:$0x4] =	stream.indirect_vreg.gather [hbm4b:s2+s3], $0x80, v4, vm0, $0xb8;
	[tilespmem:$0x1C200] =	vst v63  }
0x185: {  	_ = 	snop  }
0x186: {  	[tilespmem:s15], [sflag:$0x4] =	stream.indirect_vreg.gather [hbm4b:s5+s3], $0x80, v4, vm0, $0xb8;
	[tilespmem:$0x1C200] =	vst v63  }
0x187: {  	_ = 	snop  }
0x188: {  	[tilespmem:s11], [sflag:$0x4] =	stream.indirect_vreg.gather [hbm4b:s2+s3], $0x80, v3, vm0, $0xb8;
	[tilespmem:$0x1C200] =	vst v63  }
0x189: {  	s11 =	simm.s32 $0x6  }
0x18a: {  	[tilespmem:s12], [sflag:$0x4] =	stream.indirect_vreg.gather [hbm4b:s5+s3], $0x80, v3, vm0, $0xb8;
	[tilespmem:$0x1C200] =	vst v63  }
0x18b: {  	_ =	swait.ge [sflag:s11], $0x4000  }
0x18c: {  	[sflag:s11] =	ssyncset.done $0x0  }
0x18d: {  	s12 =	simm.s32 $0xC;
	s13 =	rddreg [dreg:$0x9];
	[sflag:s11] =	ssyncadd.s32 $0xFFFFC000  }
0x18e: {  	[hbm4b:s13+s3] =	stream.linear.scatter [tilespmem:s10], [sflag:$0xD], $0x4000, $0x38;
	[tilespmem:$0x1C200] =	vst v63  }
0x18f: {  	_ =	swait.ge [sflag:s12], $0x4000  }
0x190: {  	[sflag:s12] =	ssyncset.done $0x0  }
0x191: {  	[sflag:s12] =	ssyncadd.s32 $0xFFFFC000  }
0x192: {  	v3 =	vld [tilespmem:$0x160];
	_ =	sdelay $0x4  }
0x193: {  	v54 =	vshll.u32 v3, $0x2  }
0x194: {  	v3 =	vand.u32 $0x7, v3;
	v4 =	vand.u32 $0xFFFFFFE0, v54  }
0x195: {  	v3 =	vor.u32 v3, v4  }
0x196: {  	v4 =	vperm.xlane v3, v0;
	_ =	sdelay $0x1  }
0x197: {  	v4 =	vadd.s32 v1, v4;
	_ =	sdelay $0x1  }
0x198: {  	v3 =	vperm.xlane v3, v2;
	_ =	sdelay $0x1  }
0x199: {  	v3 =	vadd.s32 v1, v3  }
0x19a: {  	[tilespmem:s17], [sflag:$0x5] =	stream.indirect_vreg.gather [hbm4b:s2+s3], $0x80, v4, vm0, $0xb8;
	[tilespmem:$0x1C200] =	vst v63  }
0x19b: {  	s14 =	simm.s32 $0x10A00  }
0x19c: {  	[tilespmem:s14], [sflag:$0x5] =	stream.indirect_vreg.gather [hbm4b:s5+s3], $0x80, v4, vm0, $0xb8;
	[tilespmem:$0x1C200] =	vst v63  }
0x19d: {  	s15 =	simm.s32 $0x11200  }
0x19e: {  	[tilespmem:s15], [sflag:$0x5] =	stream.indirect_vreg.gather [hbm4b:s2+s3], $0x80, v3, vm0, $0xb8;
	[tilespmem:$0x1C200] =	vst v63  }
0x19f: {  	s18 =	simm.s32 $0x11A00  }
0x1a0: {  	[tilespmem:s18], [sflag:$0x5] =	stream.indirect_vreg.gather [hbm4b:s5+s3], $0x80, v3, vm0, $0xb8;
	[tilespmem:$0x1C200] =	vst v63  }
0x1a1: {  	v3 =	vld [tilespmem:$0x170];
	_ =	sdelay $0x4  }
0x1a2: {  	v55 =	vshll.u32 v3, $0x2  }
0x1a3: {  	v3 =	vand.u32 $0x7, v3;
	v4 =	vand.u32 $0xFFFFFFE0, v55  }
0x1a4: {  	v3 =	vor.u32 v3, v4  }
0x1a5: {  	v4 =	vperm.xlane v3, v0;
	_ =	sdelay $0x1  }
0x1a6: {  	v4 =	vadd.s32 v1, v4;
	_ =	sdelay $0x1  }
0x1a7: {  	v3 =	vperm.xlane v3, v2;
	_ =	sdelay $0x1  }
0x1a8: {  	s14 =	simm.s32 $0x12200;
	v3 =	vadd.s32 v1, v3  }
0x1a9: {  	[tilespmem:s14], [sflag:$0x5] =	stream.indirect_vreg.gather [hbm4b:s2+s3], $0x80, v4, vm0, $0xb8;
	[tilespmem:$0x1C200] =	vst v63  }
0x1aa: {  	s15 =	simm.s32 $0x12A00  }
0x1ab: {  	[tilespmem:s15], [sflag:$0x5] =	stream.indirect_vreg.gather [hbm4b:s5+s3], $0x80, v4, vm0, $0xb8;
	[tilespmem:$0x1C200] =	vst v63  }
0x1ac: {  	s18 =	simm.s32 $0x13200  }
0x1ad: {  	[tilespmem:s18], [sflag:$0x5] =	stream.indirect_vreg.gather [hbm4b:s2+s3], $0x80, v3, vm0, $0xb8;
	[tilespmem:$0x1C200] =	vst v63  }
0x1ae: {  	s13 =	simm.s32 $0x7;
	s14 =	simm.s32 $0x13A00  }
0x1af: {  	[tilespmem:s14], [sflag:$0x5] =	stream.indirect_vreg.gather [hbm4b:s5+s3], $0x80, v3, vm0, $0xb8;
	[tilespmem:$0x1C200] =	vst v63  }
0x1b0: {  	_ =	swait.ge [sflag:s13], $0x4000  }
0x1b1: {  	[sflag:s13] =	ssyncset.done $0x0  }
0x1b2: {  	s14 =	simm.s32 $0xD;
	s15 =	rddreg [dreg:$0xa];
	[sflag:s13] =	ssyncadd.s32 $0xFFFFC000  }
0x1b3: {  	[hbm4b:s15+s3] =	stream.linear.scatter [tilespmem:s7], [sflag:$0xE], $0x4000, $0x38;
	[tilespmem:$0x1C200] =	vst v63  }
0x1b4: {  	_ =	swait.ge [sflag:s14], $0x4000  }
0x1b5: {  	[sflag:s14] =	ssyncset.done $0x0  }
0x1b6: {  	[sflag:s14] =	ssyncadd.s32 $0xFFFFC000  }
0x1b7: {  	v3 =	vld [tilespmem:$0x180];
	_ =	sdelay $0x4  }
0x1b8: {  	v56 =	vshll.u32 v3, $0x2  }
0x1b9: {  	v3 =	vand.u32 $0x7, v3;
	v4 =	vand.u32 $0xFFFFFFE0, v56  }
0x1ba: {  	v3 =	vor.u32 v3, v4  }
0x1bb: {  	v4 =	vperm.xlane v3, v0;
	_ =	sdelay $0x1  }
0x1bc: {  	v4 =	vadd.s32 v1, v4;
	_ =	sdelay $0x1  }
0x1bd: {  	v3 =	vperm.xlane v3, v2;
	_ =	sdelay $0x1  }
0x1be: {  	v3 =	vadd.s32 v1, v3  }
0x1bf: {  	[tilespmem:s10], [sflag:$0x6] =	stream.indirect_vreg.gather [hbm4b:s2+s3], $0x80, v4, vm0, $0xb8;
	[tilespmem:$0x1C200] =	vst v63  }
0x1c0: {  	s18 =	simm.s32 $0x14A00  }
0x1c1: {  	[tilespmem:s18], [sflag:$0x6] =	stream.indirect_vreg.gather [hbm4b:s5+s3], $0x80, v4, vm0, $0xb8;
	[tilespmem:$0x1C200] =	vst v63  }
0x1c2: {  	s18 =	simm.s32 $0x15200  }
0x1c3: {  	[tilespmem:s18], [sflag:$0x6] =	stream.indirect_vreg.gather [hbm4b:s2+s3], $0x80, v3, vm0, $0xb8;
	[tilespmem:$0x1C200] =	vst v63  }
0x1c4: {  	s18 =	simm.s32 $0x15A00  }
0x1c5: {  	[tilespmem:s18], [sflag:$0x6] =	stream.indirect_vreg.gather [hbm4b:s5+s3], $0x80, v3, vm0, $0xb8;
	[tilespmem:$0x1C200] =	vst v63  }
0x1c6: {  	v3 =	vld [tilespmem:$0x190];
	_ =	sdelay $0x4  }
0x1c7: {  	v57 =	vshll.u32 v3, $0x2  }
0x1c8: {  	v3 =	vand.u32 $0x7, v3;
	v4 =	vand.u32 $0xFFFFFFE0, v57  }
0x1c9: {  	v3 =	vor.u32 v3, v4  }
0x1ca: {  	v4 =	vperm.xlane v3, v0;
	_ =	sdelay $0x1  }
0x1cb: {  	v4 =	vadd.s32 v1, v4;
	_ =	sdelay $0x1  }
0x1cc: {  	v3 =	vperm.xlane v3, v2;
	_ =	sdelay $0x1  }
0x1cd: {  	s18 =	simm.s32 $0x16200;
	v3 =	vadd.s32 v1, v3  }
0x1ce: {  	[tilespmem:s18], [sflag:$0x6] =	stream.indirect_vreg.gather [hbm4b:s2+s3], $0x80, v4, vm0, $0xb8;
	[tilespmem:$0x1C200] =	vst v63  }
0x1cf: {  	s18 =	simm.s32 $0x16A00  }
0x1d0: {  	[tilespmem:s18], [sflag:$0x6] =	stream.indirect_vreg.gather [hbm4b:s5+s3], $0x80, v4, vm0, $0xb8;
	[tilespmem:$0x1C200] =	vst v63  }
0x1d1: {  	s18 =	simm.s32 $0x17200  }
0x1d2: {  	[tilespmem:s18], [sflag:$0x6] =	stream.indirect_vreg.gather [hbm4b:s2+s3], $0x80, v3, vm0, $0xb8;
	[tilespmem:$0x1C200] =	vst v63  }
0x1d3: {  	s18 =	simm.s32 $0x17A00  }
0x1d4: {  	[tilespmem:s18], [sflag:$0x6] =	stream.indirect_vreg.gather [hbm4b:s5+s3], $0x80, v3, vm0, $0xb8;
	[tilespmem:$0x1C200] =	vst v63  }
0x1d5: {  	_ =	swait.ge [sflag:s23], $0x4000  }
0x1d6: {  	[sflag:s23] =	ssyncset.done $0x0  }
0x1d7: {  	s15 =	rddreg [dreg:$0xb];
	[sflag:s23] =	ssyncadd.s32 $0xFFFFC000  }
0x1d8: {  	[hbm4b:s15+s3] =	stream.linear.scatter [tilespmem:s16], [sflag:$0x8], $0x4000, $0x38;
	[tilespmem:$0x1C200] =	vst v63  }
0x1d9: {  	s15 =	simm.s32 $0xE  }
0x1da: {  	_ =	swait.ge [sflag:s15], $0x4000  }
0x1db: {  	[sflag:s15] =	ssyncset.done $0x0  }
0x1dc: {  	[sflag:s15] =	ssyncadd.s32 $0xFFFFC000  }
0x1dd: {  	v3 =	vld [tilespmem:$0x1A0];
	_ =	sdelay $0x4  }
0x1de: {  	v58 =	vshll.u32 v3, $0x2  }
0x1df: {  	v3 =	vand.u32 $0x7, v3;
	v4 =	vand.u32 $0xFFFFFFE0, v58  }
0x1e0: {  	v3 =	vor.u32 v3, v4  }
0x1e1: {  	v4 =	vperm.xlane v3, v0;
	_ =	sdelay $0x1  }
0x1e2: {  	v4 =	vadd.s32 v1, v4;
	_ =	sdelay $0x1  }
0x1e3: {  	v3 =	vperm.xlane v3, v2;
	_ =	sdelay $0x1  }
0x1e4: {  	v3 =	vadd.s32 v1, v3  }
0x1e5: {  	[tilespmem:s7], [sflag:$0x7] =	stream.indirect_vreg.gather [hbm4b:s2+s3], $0x80, v4, vm0, $0xb8;
	[tilespmem:$0x1C200] =	vst v63  }
0x1e6: {  	s18 =	simm.s32 $0x18A00  }
0x1e7: {  	[tilespmem:s18], [sflag:$0x7] =	stream.indirect_vreg.gather [hbm4b:s5+s3], $0x80, v4, vm0, $0xb8;
	[tilespmem:$0x1C200] =	vst v63  }
0x1e8: {  	s18 =	simm.s32 $0x19200  }
0x1e9: {  	[tilespmem:s18], [sflag:$0x7] =	stream.indirect_vreg.gather [hbm4b:s2+s3], $0x80, v3, vm0, $0xb8;
	[tilespmem:$0x1C200] =	vst v63  }
0x1ea: {  	s18 =	simm.s32 $0x19A00  }
0x1eb: {  	[tilespmem:s18], [sflag:$0x7] =	stream.indirect_vreg.gather [hbm4b:s5+s3], $0x80, v3, vm0, $0xb8;
	[tilespmem:$0x1C200] =	vst v63  }
0x1ec: {  	v3 =	vld [tilespmem:$0x1B0];
	_ =	sdelay $0x4  }
0x1ed: {  	v59 =	vshll.u32 v3, $0x2  }
0x1ee: {  	v3 =	vand.u32 $0x7, v3;
	v4 =	vand.u32 $0xFFFFFFE0, v59  }
0x1ef: {  	v3 =	vor.u32 v3, v4  }
0x1f0: {  	v4 =	vperm.xlane v3, v0;
	_ =	sdelay $0x1  }
0x1f1: {  	v4 =	vadd.s32 v1, v4;
	_ =	sdelay $0x1  }
0x1f2: {  	v3 =	vperm.xlane v3, v2;
	_ =	sdelay $0x1  }
0x1f3: {  	s18 =	simm.s32 $0x1A200;
	v3 =	vadd.s32 v1, v3  }
0x1f4: {  	[tilespmem:s18], [sflag:$0x7] =	stream.indirect_vreg.gather [hbm4b:s2+s3], $0x80, v4, vm0, $0xb8;
	[tilespmem:$0x1C200] =	vst v63  }
0x1f5: {  	s18 =	simm.s32 $0x1AA00  }
0x1f6: {  	[tilespmem:s18], [sflag:$0x7] =	stream.indirect_vreg.gather [hbm4b:s5+s3], $0x80, v4, vm0, $0xb8;
	[tilespmem:$0x1C200] =	vst v63  }
0x1f7: {  	s18 =	simm.s32 $0x1B200  }
0x1f8: {  	[tilespmem:s18], [sflag:$0x7] =	stream.indirect_vreg.gather [hbm4b:s2+s3], $0x80, v3, vm0, $0xb8;
	[tilespmem:$0x1C200] =	vst v63  }
0x1f9: {  	s18 =	simm.s32 $0x1BA00  }
0x1fa: {  	[tilespmem:s18], [sflag:$0x7] =	stream.indirect_vreg.gather [hbm4b:s5+s3], $0x80, v3, vm0, $0xb8;
	[tilespmem:$0x1C200] =	vst v63  }
0x1fb: {  	_ =	swait.ge [sflag:s29], $0x4000  }
0x1fc: {  	[sflag:s29] =	ssyncset.done $0x0  }
0x1fd: {  	s18 =	rddreg [dreg:$0xc];
	[sflag:s29] =	ssyncadd.s32 $0xFFFFC000  }
0x1fe: {  	[hbm4b:s18+s3] =	stream.linear.scatter [tilespmem:s26], [sflag:$0x9], $0x4000, $0x38;
	[tilespmem:$0x1C200] =	vst v63  }
0x1ff: {  	_ =	swait.ge [sflag:s30], $0x4000  }
0x200: {  	[sflag:s30] =	ssyncset.done $0x0  }
0x201: {  	[sflag:s30] =	ssyncadd.s32 $0xFFFFC000  }
0x202: {  	v3 =	vld [tilespmem:$0x1C0];
	_ =	sdelay $0x4  }
0x203: {  	v60 =	vshll.u32 v3, $0x2  }
0x204: {  	v3 =	vand.u32 $0x7, v3;
	v4 =	vand.u32 $0xFFFFFFE0, v60  }
0x205: {  	v3 =	vor.u32 v3, v4  }
0x206: {  	v4 =	vperm.xlane v3, v0;
	_ =	sdelay $0x1  }
0x207: {  	v4 =	vadd.s32 v1, v4;
	_ =	sdelay $0x1  }
0x208: {  	v3 =	vperm.xlane v3, v2;
	_ =	sdelay $0x1  }
0x209: {  	v3 =	vadd.s32 v1, v3  }
0x20a: {  	[tilespmem:s16], [sflag:$0x1] =	stream.indirect_vreg.gather [hbm4b:s2+s3], $0x80, v4, vm0, $0xb8;
	[tilespmem:$0x1C200] =	vst v63  }
0x20b: {  	s18 =	simm.s32 $0xA00  }
0x20c: {  	[tilespmem:s18], [sflag:$0x1] =	stream.indirect_vreg.gather [hbm4b:s5+s3], $0x80, v4, vm0, $0xb8;
	[tilespmem:$0x1C200] =	vst v63  }
0x20d: {  	s18 =	simm.s32 $0x1200  }
0x20e: {  	[tilespmem:s18], [sflag:$0x1] =	stream.indirect_vreg.gather [hbm4b:s2+s3], $0x80, v3, vm0, $0xb8;
	[tilespmem:$0x1C200] =	vst v63  }
0x20f: {  	s18 =	simm.s32 $0x1A00  }
0x210: {  	[tilespmem:s18], [sflag:$0x1] =	stream.indirect_vreg.gather [hbm4b:s5+s3], $0x80, v3, vm0, $0xb8;
	[tilespmem:$0x1C200] =	vst v63  }
0x211: {  	v3 =	vld [tilespmem:$0x1D0];
	_ =	sdelay $0x4  }
0x212: {  	v61 =	vshll.u32 v3, $0x2  }
0x213: {  	v3 =	vand.u32 $0x7, v3;
	v4 =	vand.u32 $0xFFFFFFE0, v61  }
0x214: {  	v3 =	vor.u32 v3, v4  }
0x215: {  	v4 =	vperm.xlane v3, v0;
	_ =	sdelay $0x1  }
0x216: {  	v4 =	vadd.s32 v1, v4;
	_ =	sdelay $0x1  }
0x217: {  	v3 =	vperm.xlane v3, v2;
	_ =	sdelay $0x1  }
0x218: {  	s18 =	simm.s32 $0x2200;
	v3 =	vadd.s32 v1, v3  }
0x219: {  	[tilespmem:s18], [sflag:$0x1] =	stream.indirect_vreg.gather [hbm4b:s2+s3], $0x80, v4, vm0, $0xb8;
	[tilespmem:$0x1C200] =	vst v63  }
0x21a: {  	s18 =	simm.s32 $0x2A00  }
0x21b: {  	[tilespmem:s18], [sflag:$0x1] =	stream.indirect_vreg.gather [hbm4b:s5+s3], $0x80, v4, vm0, $0xb8;
	[tilespmem:$0x1C200] =	vst v63  }
0x21c: {  	s18 =	simm.s32 $0x3200  }
0x21d: {  	[tilespmem:s18], [sflag:$0x1] =	stream.indirect_vreg.gather [hbm4b:s2+s3], $0x80, v3, vm0, $0xb8;
	[tilespmem:$0x1C200] =	vst v63  }
0x21e: {  	s18 =	simm.s32 $0x3A00  }
0x21f: {  	[tilespmem:s18], [sflag:$0x1] =	stream.indirect_vreg.gather [hbm4b:s5+s3], $0x80, v3, vm0, $0xb8;
	[tilespmem:$0x1C200] =	vst v63  }
0x220: {  	_ =	swait.ge [sflag:s0], $0x4000  }
0x221: {  	[sflag:s0] =	ssyncset.done $0x0  }
0x222: {  	s18 =	rddreg [dreg:$0xd];
	[sflag:s0] =	ssyncadd.s32 $0xFFFFC000;
	s0 =	simm.s32 $0x8200  }
0x223: {  	[hbm4b:s18+s3] =	stream.linear.scatter [tilespmem:s0], [sflag:$0xA], $0x4000, $0x38;
	[tilespmem:$0x1C200] =	vst v63  }
0x224: {  	_ =	swait.ge [sflag:s4], $0x4000  }
0x225: {  	[sflag:s4] =	ssyncset.done $0x0  }
0x226: {  	[sflag:s4] =	ssyncadd.s32 $0xFFFFC000  }
0x227: {  	v3 =	vld [tilespmem:$0x1E0];
	_ =	sdelay $0x4  }
0x228: {  	v62 =	vshll.u32 v3, $0x2  }
0x229: {  	v3 =	vand.u32 $0x7, v3;
	v4 =	vand.u32 $0xFFFFFFE0, v62  }
0x22a: {  	v3 =	vor.u32 v3, v4  }
0x22b: {  	v4 =	vperm.xlane v3, v0;
	_ =	sdelay $0x1  }
0x22c: {  	v4 =	vadd.s32 v1, v4;
	_ =	sdelay $0x1  }
0x22d: {  	v3 =	vperm.xlane v3, v2;
	_ =	sdelay $0x1  }
0x22e: {  	v3 =	vadd.s32 v1, v3  }
0x22f: {  	[tilespmem:s26], [sflag:$0x2] =	stream.indirect_vreg.gather [hbm4b:s2+s3], $0x80, v4, vm0, $0xb8;
	[tilespmem:$0x1C200] =	vst v63  }
0x230: {  	s18 =	simm.s32 $0x4A00  }
0x231: {  	[tilespmem:s18], [sflag:$0x2] =	stream.indirect_vreg.gather [hbm4b:s5+s3], $0x80, v4, vm0, $0xb8;
	[tilespmem:$0x1C200] =	vst v63  }
0x232: {  	s18 =	simm.s32 $0x5200  }
0x233: {  	[tilespmem:s18], [sflag:$0x2] =	stream.indirect_vreg.gather [hbm4b:s2+s3], $0x80, v3, vm0, $0xb8;
	[tilespmem:$0x1C200] =	vst v63  }
0x234: {  	s18 =	simm.s32 $0x5A00  }
0x235: {  	[tilespmem:s18], [sflag:$0x2] =	stream.indirect_vreg.gather [hbm4b:s5+s3], $0x80, v3, vm0, $0xb8;
	[tilespmem:$0x1C200] =	vst v63  }
0x236: {  	v3 =	vld [tilespmem:$0x1F0];
	_ =	sdelay $0x4  }
0x237: {  	v63 =	vshll.u32 v3, $0x2  }
0x238: {  	v3 =	vand.u32 $0x7, v3;
	v4 =	vand.u32 $0xFFFFFFE0, v63  }
0x239: {  	v3 =	vor.u32 v3, v4  }
0x23a: {  	v4 =	vperm.xlane v3, v0;
	_ =	sdelay $0x1  }
0x23b: {  	v4 =	vadd.s32 v1, v4;
	_ =	sdelay $0x1  }
0x23c: {  	v3 =	vperm.xlane v3, v2;
	_ =	sdelay $0x1  }
0x23d: {  	s18 =	simm.s32 $0x6200;
	v3 =	vadd.s32 v1, v3  }
0x23e: {  	[tilespmem:s18], [sflag:$0x2] =	stream.indirect_vreg.gather [hbm4b:s2+s3], $0x80, v4, vm0, $0xb8;
	[tilespmem:$0x1C200] =	vst v63  }
0x23f: {  	s18 =	simm.s32 $0x6A00  }
0x240: {  	[tilespmem:s18], [sflag:$0x2] =	stream.indirect_vreg.gather [hbm4b:s5+s3], $0x80, v4, vm0, $0xb8;
	[tilespmem:$0x1C200] =	vst v63  }
0x241: {  	s18 =	simm.s32 $0x7200  }
0x242: {  	[tilespmem:s18], [sflag:$0x2] =	stream.indirect_vreg.gather [hbm4b:s2+s3], $0x80, v3, vm0, $0xb8;
	[tilespmem:$0x1C200] =	vst v63  }
0x243: {  	s18 =	simm.s32 $0x7A00  }
0x244: {  	[tilespmem:s18], [sflag:$0x2] =	stream.indirect_vreg.gather [hbm4b:s5+s3], $0x80, v3, vm0, $0xb8;
	[tilespmem:$0x1C200] =	vst v63  }
0x245: {  	_ =	swait.ge [sflag:s1], $0x4000  }
0x246: {  	[sflag:s1] =	ssyncset.done $0x0  }
0x247: {  	s19 =	simm.s32 $0xC200;
	s0 =	rddreg [dreg:$0xe];
	[sflag:s1] =	ssyncadd.s32 $0xFFFFC000  }
0x248: {  	[hbm4b:s0+s3] =	stream.linear.scatter [tilespmem:s19], [sflag:$0xB], $0x4000, $0x38;
	[tilespmem:$0x1C200] =	vst v63  }
0x249: {  	_ =	swait.ge [sflag:s8], $0x4000  }
0x24a: {  	[sflag:s8] =	ssyncset.done $0x0  }
0x24b: {  	s17 =	simm.s32 $0x10200;
	s1 =	rddreg [dreg:$0xf];
	[sflag:s8] =	ssyncadd.s32 $0xFFFFC000  }
0x24c: {  	[hbm4b:s1+s3] =	stream.linear.scatter [tilespmem:s17], [sflag:$0xC], $0x4000, $0x38;
	[tilespmem:$0x1C200] =	vst v63  }
0x24d: {  	_ =	swait.ge [sflag:s11], $0x4000  }
0x24e: {  	[sflag:s11] =	ssyncset.done $0x0  }
0x24f: {  	s8 =	rddreg [dreg:$0x10];
	[sflag:s11] =	ssyncadd.s32 $0xFFFFC000  }
0x250: {  	[hbm4b:s8+s3] =	stream.linear.scatter [tilespmem:s10], [sflag:$0xD], $0x4000, $0x38;
	[tilespmem:$0x1C200] =	vst v63  }
0x251: {  	_ =	swait.ge [sflag:s13], $0x4000  }
0x252: {  	[sflag:s13] =	ssyncset.done $0x0  }
0x253: {  	s11 =	rddreg [dreg:$0x11];
	[sflag:s13] =	ssyncadd.s32 $0xFFFFC000  }
0x254: {  	[hbm4b:s11+s3] =	stream.linear.scatter [tilespmem:s7], [sflag:$0xE], $0x4000, $0x38;
	[tilespmem:$0x1C200] =	vst v63  }
0x255: {  	_ =	swait.ge [sflag:s23], $0x4000  }
0x256: {  	[sflag:s23] =	ssyncset.done $0x0  }
0x257: {  	s17 =	rddreg [dreg:$0x12];
	[sflag:s23] =	ssyncadd.s32 $0xFFFFC000  }
0x258: {  	[hbm4b:s17+s3] =	stream.linear.scatter [tilespmem:s16], [sflag:$0x8], $0x4000, $0x38;
	[tilespmem:$0x1C200] =	vst v63  }
0x259: {  	_ =	swait.ge [sflag:s29], $0x4000  }
0x25a: {  	[sflag:s29] =	ssyncset.done $0x0  }
0x25b: {  	s19 =	rddreg [dreg:$0x13];
	[sflag:s29] =	ssyncadd.s32 $0xFFFFC000  }
0x25c: {  	[hbm4b:s19+s3] =	stream.linear.scatter [tilespmem:s26], [sflag:$0x9], $0x4000, $0x38;
	[tilespmem:$0x1C200] =	vst v63  }
0x25d: {  	_ =	swait.ge [sflag:s31], $0x4000  }
0x25e: {  	[sflag:s31] =	ssyncset.done $0x0  }
0x25f: {  	[sflag:s31] =	ssyncadd.s32 $0xFFFFC000  }
0x260: {  	_ =	swait.ge [sflag:s9], $0x4000  }
0x261: {  	[sflag:s9] =	ssyncset.done $0x0  }
0x262: {  	[sflag:s9] =	ssyncadd.s32 $0xFFFFC000  }
0x263: {  	_ =	swait.ge [sflag:s12], $0x4000  }
0x264: {  	[sflag:s12] =	ssyncset.done $0x0  }
0x265: {  	[sflag:s12] =	ssyncadd.s32 $0xFFFFC000  }
0x266: {  	_ =	swait.ge [sflag:s14], $0x4000  }
0x267: {  	[sflag:s14] =	ssyncset.done $0x0  }
0x268: {  	[sflag:s14] =	ssyncadd.s32 $0xFFFFC000  }
0x269: {  	_ =	swait.ge [sflag:s15], $0x4000  }
0x26a: {  	[sflag:s15] =	ssyncset.done $0x0  }
0x26b: {  	[sflag:s15] =	ssyncadd.s32 $0xFFFFC000  }
0x26c: {  	p0 =	sne.s32 s6, $0x1;
	_ =	swait.ge [sflag:s30], $0x4000  }
.Ltmp0:
0x26d: {  	[sflag:s30] =	ssyncset.done $0x0;
	(pc) =	sbr.rel @p0 .LBB2_1-.Ltmp0, $4  }
0x26e: {  	[sflag:s30] =	ssyncadd.s32 $0xFFFFC000  }
0x26f: {  	_ =	swait.ge [sflag:s4], $0x4000  }
0x270: {  	[sflag:s4] =	ssyncset.done $0x0  }
0x271: {  	s6 =	sadd.s32 $0xFFFFFFFF, s6;
	[sflag:s4] =	ssyncadd.s32 $0xFFFFC000  }
0x272: {  	_ =	sfence.sel $0x180000  }
0x273: {  	[bflag:$0x0] =	sbarrier.arrive $0xFFFF  }
0x274: {  	_ =	strace $0x90000047  }
0x275: {  	s0 =	stileid.u32;
	[bflag:$0x2] =	sbarrier.arrive $0xFFFF  }
0x276: {  	p0 =	sne.s32 s0, $0x0;
	s0 =	rddreg [dreg:$0x3]  }
0x277: {  	s0 =	sadd.s32 @!p0 $0x100000, s0  }
0x278: {  	[sflag:s0] =	ssyncadd.tile.s32 @!p0 $0x1;
	_ =	shalt  }
.Lfunc_end2:
_tile_overlayer_lowered:
.L_overlay_start_2:
0x279: {  	(tag) =	ssettag $0x2  }
0x27a: {  	s0 =	rddreg [dreg:$0x0];
	s2 =	stileid.u32  }
0x27b: {  	s1 =	rddreg [dreg:$0x1];
	p0 =	sne.s32 s2, $0x0  }
0x27c: {  	s3 =	rddreg [dreg:$0x2];
	[bflag:$0x3] =	sbarrier.arrive $0xFFFF;
	s2 =	simm.s32 @!p0 $0x1C0F  }
0x27d: {  	[timem:s3], [sflag:s2] =	dma.local @!p0 [hbm:s0], s1  }
0x27e: {  	s0 =	simm.s32 @!p0 $0xF  }
0x27f: {  	_ =	swait.ge @!p0 [sflag:s0], s1  }
0x280: {  	s1 =	ssub.s32 @!p0 $0x0, s1;
	[sflag:s0] =	ssyncset.done @!p0 $0x0  }
0x281: {  	[sflag:s0] =	ssyncadd.s32 @!p0 s1  }
0x282: {  	[bflag:$0x3] =	sbarrier.arrive $0xFFFF  }
0x283: {  	_ =	shalt  }

</sc_bundles>
